<compile_context>
chip_gen: v7x
topology: tpu7x:2x2x1
jax: 0.10.2.dev20260603
libtpu: 0.0.44.dev20260713+nightly
codegen_flags: <defaults>
</compile_context>

<pallas_src>
import functools

import jax
import jax.numpy as jnp
from jax import lax
from jax.experimental import pallas as pl
from jax.experimental.pallas import tpu as pltpu
from jax.experimental.pallas import tpu_sc as plsc

N = 10000
E = 320000
D = 128
C = 2

NC = 2
NS = 16
NW = NC * NS
CHUNK = 128
NCH = 79
EPAD = NW * NCH * CHUNK
NPAD = 10112
RPT = NPAD // NS

_mesh = plsc.VectorSubcoreMesh(
    core_axis_name="c", subcore_axis_name="s", num_cores=NC, num_subcores=NS)


def _deg128_body(dst_hbm, zeros_hbm, ones_hbm, out_hbm, dstv, onesv, degs):
    cid = lax.axis_index("c")
    sid = lax.axis_index("s")
    wid = sid * NC + cid
    pltpu.sync_copy(zeros_hbm, degs.at[pl.ds(sid * RPT, RPT)])
    pltpu.sync_copy(dst_hbm.at[wid], dstv)
    pltpu.sync_copy(ones_hbm, onesv)
    plsc.subcore_barrier()

    def body(j):
        pltpu.sync_copy(onesv, degs.at[dstv.at[j]], add=True)

    lax.fori_loop(0, NCH, lambda j, _: (body(j), None)[1], None)
    plsc.subcore_barrier()
    pltpu.sync_copy(degs.at[pl.ds(sid * RPT, RPT)],
                    out_hbm.at[cid, pl.ds(sid * RPT, RPT)])


def _make_deg128(interpret=False):
    return pl.kernel(
        _deg128_body,
        out_type=jax.ShapeDtypeStruct((NC, NPAD, D), jnp.float32),
        mesh=_mesh,
        scratch_types=[
            pltpu.VMEM((NCH, CHUNK), jnp.int32),
            pltpu.VMEM((CHUNK, D), jnp.float32),
            pltpu.VMEM_SHARED((NPAD, D), jnp.float32),
        ],
        interpret=interpret,
    )


_deg128 = _make_deg128()


def _agg_body(y_hbm, src_hbm, dst_hbm, zeros_hbm, out_hbm, srcv, dstv, rows,
              aggs, sem):
    cid = lax.axis_index("c")
    sid = lax.axis_index("s")
    wid = sid * NC + cid
    pltpu.sync_copy(zeros_hbm, aggs.at[pl.ds(sid * RPT, RPT)])
    pltpu.sync_copy(src_hbm.at[wid], srcv)
    pltpu.sync_copy(dst_hbm.at[wid], dstv)
    plsc.subcore_barrier()

    def body(j):
        pltpu.async_copy(y_hbm.at[srcv.at[j]], rows, sem).wait()
        pltpu.sync_copy(rows, aggs.at[dstv.at[j]], add=True)

    lax.fori_loop(0, NCH, lambda j, _: (body(j), None)[1], None)
    plsc.subcore_barrier()
    pltpu.sync_copy(aggs.at[pl.ds(sid * RPT, RPT)],
                    out_hbm.at[cid, pl.ds(sid * RPT, RPT)])


def _make_agg(interpret=False):
    return pl.kernel(
        _agg_body,
        out_type=jax.ShapeDtypeStruct((NC, NPAD, D), jnp.float32),
        mesh=_mesh,
        scratch_types=[
            pltpu.VMEM((NCH, CHUNK), jnp.int32),
            pltpu.VMEM((NCH, CHUNK), jnp.int32),
            pltpu.VMEM((CHUNK, D), jnp.float32),
            pltpu.VMEM_SHARED((NPAD, D), jnp.float32),
            pltpu.SemaphoreType.DMA,
        ],
        interpret=interpret,
    )


_agg = _make_agg()


R = 1264
G = NPAD // R


def _dinv_of(degp):
    deg = degp[0, :, 0:1] + degp[1, :, 0:1] + 1.0
    return lax.rsqrt(deg)


def _t1_body(x_ref, w_ref, degp_ref, y_ref, self_ref):
    dinv = _dinv_of(degp_ref[...])
    xw = jnp.dot(x_ref[...], w_ref[...], precision=lax.Precision.HIGHEST,
                 preferred_element_type=jnp.float32)
    y = xw * dinv
    y_ref[...] = y
    self_ref[...] = y * dinv


def _t2_body(aggp_ref, degp_ref, self_ref, b_ref, w_ref, y_ref, self2_ref):
    dinv = _dinv_of(degp_ref[...])
    agg = aggp_ref[0] + aggp_ref[1]
    h = jnp.maximum(dinv * agg + self_ref[...] + b_ref[...], 0.0)
    xw = jnp.dot(h, w_ref[...], precision=lax.Precision.HIGHEST,
                 preferred_element_type=jnp.float32)
    y = xw * dinv
    y_ref[...] = y
    self2_ref[...] = y * dinv


def _t3_body(aggp_ref, degp_ref, self_ref, b_ref, wc1_ref, bc1_ref, wc2_ref,
             bc2_ref, h_ref, logits_ref):
    dinv = _dinv_of(degp_ref[...])
    agg = aggp_ref[0] + aggp_ref[1]
    h = dinv * agg + self_ref[...] + b_ref[...]
    h_ref[...] = h
    z = jnp.maximum(
        jnp.dot(h, wc1_ref[...], precision=lax.Precision.HIGHEST,
                preferred_element_type=jnp.float32) + bc1_ref[...], 0.0)
    logits_ref[...] = jnp.dot(
        z, wc2_ref[...], precision=lax.Precision.HIGHEST,
        preferred_element_type=jnp.float32) + bc2_ref[...]


_row_spec = pl.BlockSpec((R, D), lambda i: (i, 0))
_w_spec = pl.BlockSpec((D, D), lambda i: (0, 0))
_b_spec = pl.BlockSpec((1, D), lambda i: (0, 0))
_degp_spec = pl.BlockSpec((NC, R, D), lambda i: (0, i, 0))
_aggp_spec = pl.BlockSpec((NC, R, D), lambda i: (0, i, 0))

_t1 = pl.pallas_call(
    _t1_body,
    grid=(G,),
    in_specs=[_row_spec, _w_spec, _degp_spec],
    out_specs=[_row_spec, _row_spec],
    out_shape=[jax.ShapeDtypeStruct((NPAD, D), jnp.float32)] * 2,
)

_t2 = pl.pallas_call(
    _t2_body,
    grid=(G,),
    in_specs=[_aggp_spec, _degp_spec, _row_spec, _b_spec, _w_spec],
    out_specs=[_row_spec, _row_spec],
    out_shape=[jax.ShapeDtypeStruct((NPAD, D), jnp.float32)] * 2,
)

_t3 = pl.pallas_call(
    _t3_body,
    grid=(G,),
    in_specs=[_aggp_spec, _degp_spec, _row_spec, _b_spec, _w_spec, _b_spec,
              _w_spec, _b_spec],
    out_specs=[_row_spec, _row_spec],
    out_shape=[jax.ShapeDtypeStruct((NPAD, D), jnp.float32)] * 2,
)


@jax.jit
def kernel(x, edge_index, W1, b1, W2, b2, Wc1, bc1, Wc2, bc2):
    ei = edge_index.astype(jnp.int32)
    pad = jnp.full((EPAD - E,), N, jnp.int32)
    src = (jnp.concatenate([ei[0], pad])
           .reshape(NCH, NW, CHUNK).transpose(1, 0, 2))
    dst = (jnp.concatenate([ei[1], pad])
           .reshape(NCH, NW, CHUNK).transpose(1, 0, 2))
    x_pad = jnp.zeros((NPAD, D), jnp.float32).at[:N].set(x)

    zeros_deg = jnp.zeros((RPT, D), jnp.float32)
    ones_deg = jnp.ones((CHUNK, D), jnp.float32)
    zeros_agg = jnp.zeros((RPT, D), jnp.float32)

    degp = _deg128(dst, zeros_deg, ones_deg)
    y1, self1 = _t1(x_pad, W1, degp)
    aggp1 = _agg(y1, src, dst, zeros_agg)
    y2, self2 = _t2(aggp1, degp, self1, b1.reshape(1, D), W2)
    aggp2 = _agg(y2, src, dst, zeros_agg)

    Wc1p = jnp.zeros((D, D), jnp.float32).at[:, :Wc1.shape[1]].set(Wc1)
    bc1p = jnp.zeros((1, D), jnp.float32).at[0, :bc1.shape[0]].set(bc1)
    Wc2p = jnp.zeros((D, D), jnp.float32).at[:Wc2.shape[0], :C].set(Wc2)
    bc2p = jnp.zeros((1, D), jnp.float32).at[0, :C].set(bc2)

    h2, logitsp = _t3(aggp2, degp, self2, b2.reshape(1, D), Wc1p, bc1p, Wc2p,
                      bc2p)
    return logitsp[:N, :C], h2[:N]

# --- scband reference (transcript-rebuilt; emitter-appended) ---
"""Pipeline reference for scband-homo-gcnbaseline-18863496364563 (READ-ONLY COPY).

The authoritative reference and input builder live on the scoring server;
editing this copy changes nothing except your own understanding.
"""

import jax, jax.numpy as jnp
import numpy as np

N = 10000
E = 320000
D = 128
H = 128
C = 2


def gcn_conv(x, edge_index, W, b, num_nodes):
    # GCNConv: add self-loops, symmetric normalization, x @ W, scatter-add, + bias
    src = edge_index[0]
    dst = edge_index[1]
    loop = jnp.arange(num_nodes, dtype=src.dtype)
    src = jnp.concatenate([src, loop])
    dst = jnp.concatenate([dst, loop])
    ones = jnp.ones(src.shape[0], dtype=x.dtype)
    deg = jnp.zeros((num_nodes,), dtype=x.dtype).at[dst].add(ones)
    dinv = jnp.where(deg > 0, 1.0 / jnp.sqrt(deg), 0.0)
    norm = dinv[src] * dinv[dst]
    xw = x @ W
    msg = jnp.take(xw, src, axis=0) * norm[:, None]
    out = jnp.zeros((num_nodes, xw.shape[1]), dtype=x.dtype).at[dst].add(msg)
    return out + b


def setup_inputs(seed: int = 0) -> dict:
    key = jax.random.key(seed)
    ks = jax.random.split(key, 12)
    x = jax.random.normal(ks[0], (N, D), dtype=jnp.float32)
    edge_index = jax.random.randint(ks[1], (2, E), 0, N, dtype=jnp.int64)
    s = 1.0 / np.sqrt(D)
    W1 = jax.random.uniform(ks[2], (D, H), jnp.float32, -s, s)
    b1 = jnp.zeros((H,), jnp.float32)
    W2 = jax.random.uniform(ks[3], (H, H), jnp.float32, -s, s)
    b2 = jnp.zeros((H,), jnp.float32)
    Wc1 = jax.random.uniform(ks[4], (H, H // 2), jnp.float32, -s, s)
    bc1 = jax.random.uniform(ks[5], (H // 2,), jnp.float32, -s, s)
    Wc2 = jax.random.uniform(ks[6], (H // 2, C), jnp.float32, -s, s)
    bc2 = jax.random.uniform(ks[7], (C,), jnp.float32, -s, s)
    return {"x": x, "edge_index": edge_index, "W1": W1, "b1": b1, "W2": W2, "b2": b2,
            "Wc1": Wc1, "bc1": bc1, "Wc2": Wc2, "bc2": bc2}


def reference(x, edge_index, W1, b1, W2, b2, Wc1, bc1, Wc2, bc2):
    # eval mode: dropout is identity
    h = jax.nn.relu(gcn_conv(x, edge_index, W1, b1, N))
    h = gcn_conv(h, edge_index, W2, b2, N)
    doc_h = h  # doc_indices is None -> all nodes
    z = jax.nn.relu(doc_h @ Wc1 + bc1)
    logits = z @ Wc2 + bc2
    return (logits, doc_h)

if __name__ == "__main__":
    import jax
    _d = setup_inputs()
    print(jax.jit(kernel)(*tuple(_d.values())))

</pallas_src>

<mosaic_0001>
#map = affine_map<(d0, d1) -> (0, 0, 0)>
#map1 = affine_map<(d0, d1) -> (0, 0)>
module attributes {stable_mosaic.version = 14 : i64} {
  func.func @_deg128_body(%arg0: i32, %arg1: i32, %arg2: memref<32x79x128xi32, #tpu.memory_space<hbm>>, %arg3: memref<632x128xf32, #tpu.memory_space<hbm>>, %arg4: memref<128x128xf32, #tpu.memory_space<hbm>>, %arg5: memref<2x10112x128xf32, #tpu.memory_space<hbm>>, %arg6: memref<79x128xi32, #tpu.memory_space<vmem>>, %arg7: memref<128x128xf32, #tpu.memory_space<vmem>>, %arg8: memref<10112x128xf32, #tpu.memory_space<vmem_shared>>) attributes {dimension_semantics = [#tpu.dimension_semantics<core_parallel>, #tpu.dimension_semantics<subcore_parallel>], iteration_bounds = array<i64: 2, 16>, scalar_prefetch = 0 : i64, scratch_operands = 3 : i64, tpu.core_type = #tpu.core_type<sc_vector_subcore>, window_params = [{transform_indices = #map}, {transform_indices = #map1}, {transform_indices = #map1}, {transform_indices = #map}]} {
    %mul3A = arith.constant 2 : i32
    %mul3A_0 = arith.muli %arg1, %mul3A : i32
    %add3A = arith.addi %mul3A_0, %arg0 : i32
    %mul3A_1 = arith.constant 632 : i32
    %mul3A_2 = arith.muli %arg1, %mul3A_1 : i32
    "tpu.region"() ({
      %run_scoped3A = tpu.sem_alloc : memref<!tpu.dma_semaphore, #tpu.memory_space<semaphore_mem>>
      %dma_start3A = arith.constant 0 : i32
      %dma_start3A_12 = tpu.memref_slice %arg8[%mul3A_2, %dma_start3A] : memref<10112x128xf32, #tpu.memory_space<vmem_shared>> -> memref<632x128xf32, #tpu.memory_space<vmem_shared>>
      tpu.enqueue_dma source(%arg3 : memref<632x128xf32, #tpu.memory_space<hbm>>) target(%dma_start3A_12 : memref<632x128xf32, #tpu.memory_space<vmem_shared>>) target_semaphore(%run_scoped3A : memref<!tpu.dma_semaphore, #tpu.memory_space<semaphore_mem>>)
      %dma_wait3A = arith.constant 0 : i32
      %dma_wait3A_13 = tpu.memref_slice %arg8[%mul3A_2, %dma_wait3A] : memref<10112x128xf32, #tpu.memory_space<vmem_shared>> -> memref<632x128xf32, #tpu.memory_space<vmem_shared>>
      tpu.wait_dma2 semaphore(%run_scoped3A : memref<!tpu.dma_semaphore, #tpu.memory_space<semaphore_mem>>) src(%arg3 : memref<632x128xf32, #tpu.memory_space<hbm>>) dst(%dma_wait3A_13 : memref<632x128xf32, #tpu.memory_space<vmem_shared>>)
      tpu.yield
    }) : () -> ()
    "tpu.region"() ({
      %run_scoped3A = tpu.sem_alloc : memref<!tpu.dma_semaphore, #tpu.memory_space<semaphore_mem>>
      %dma_start3A = arith.constant 0 : i32
      %dma_start3A_12 = arith.constant 0 : i32
      %dma_start3A_13 = tpu.memref_slice %arg2[%add3A, %dma_start3A, %dma_start3A_12] : memref<32x79x128xi32, #tpu.memory_space<hbm>> -> memref<1x79x128xi32, #tpu.memory_space<hbm>>
      %dma_start3A_14 = tpu.memref_squeeze %dma_start3A_13 : memref<1x79x128xi32, #tpu.memory_space<hbm>> -> memref<79x128xi32, #tpu.memory_space<hbm>>
      %dma_start3A_15 = arith.constant 0 : i32
      %dma_start3A_16 = arith.constant 0 : i32
      %dma_start3A_17 = tpu.memref_slice %arg2[%add3A, %dma_start3A_15, %dma_start3A_16] : memref<32x79x128xi32, #tpu.memory_space<hbm>> -> memref<1x79x128xi32, #tpu.memory_space<hbm>>
      %dma_start3A_18 = tpu.memref_squeeze %dma_start3A_17 : memref<1x79x128xi32, #tpu.memory_space<hbm>> -> memref<79x128xi32, #tpu.memory_space<hbm>>
      tpu.enqueue_dma source(%dma_start3A_18 : memref<79x128xi32, #tpu.memory_space<hbm>>) target(%arg6 : memref<79x128xi32, #tpu.memory_space<vmem>>) target_semaphore(%run_scoped3A : memref<!tpu.dma_semaphore, #tpu.memory_space<semaphore_mem>>)
      %dma_wait3A = arith.constant 0 : i32
      %dma_wait3A_19 = arith.constant 0 : i32
      %dma_wait3A_20 = tpu.memref_slice %arg2[%add3A, %dma_wait3A, %dma_wait3A_19] : memref<32x79x128xi32, #tpu.memory_space<hbm>> -> memref<1x79x128xi32, #tpu.memory_space<hbm>>
      %dma_wait3A_21 = tpu.memref_squeeze %dma_wait3A_20 : memref<1x79x128xi32, #tpu.memory_space<hbm>> -> memref<79x128xi32, #tpu.memory_space<hbm>>
      %dma_wait3A_22 = arith.constant 0 : i32
      %dma_wait3A_23 = arith.constant 0 : i32
      %dma_wait3A_24 = tpu.memref_slice %arg2[%add3A, %dma_wait3A_22, %dma_wait3A_23] : memref<32x79x128xi32, #tpu.memory_space<hbm>> -> memref<1x79x128xi32, #tpu.memory_space<hbm>>
      %dma_wait3A_25 = tpu.memref_squeeze %dma_wait3A_24 : memref<1x79x128xi32, #tpu.memory_space<hbm>> -> memref<79x128xi32, #tpu.memory_space<hbm>>
      tpu.wait_dma2 semaphore(%run_scoped3A : memref<!tpu.dma_semaphore, #tpu.memory_space<semaphore_mem>>) src(%dma_wait3A_25 : memref<79x128xi32, #tpu.memory_space<hbm>>) dst(%arg6 : memref<79x128xi32, #tpu.memory_space<vmem>>)
      tpu.yield
    }) : () -> ()
    "tpu.region"() ({
      %run_scoped3A = tpu.sem_alloc : memref<!tpu.dma_semaphore, #tpu.memory_space<semaphore_mem>>
      tpu.enqueue_dma source(%arg4 : memref<128x128xf32, #tpu.memory_space<hbm>>) target(%arg7 : memref<128x128xf32, #tpu.memory_space<vmem>>) target_semaphore(%run_scoped3A : memref<!tpu.dma_semaphore, #tpu.memory_space<semaphore_mem>>)
      tpu.wait_dma2 semaphore(%run_scoped3A : memref<!tpu.dma_semaphore, #tpu.memory_space<semaphore_mem>>) src(%arg4 : memref<128x128xf32, #tpu.memory_space<hbm>>) dst(%arg7 : memref<128x128xf32, #tpu.memory_space<vmem>>)
      tpu.yield
    }) : () -> ()
    %barrier3A = arith.constant 0 : index
    tpu.barrier barrier_id(%barrier3A)
    %scan3A = arith.constant 0 : i32
    %scan3A_3 = arith.constant 79 : i32
    %scan3A_4 = arith.addi %scan3A, %scan3A_3 : i32
    %scan3A_5 = arith.constant 1 : i32
    scf.for %scan3A_12 = %scan3A to %scan3A_4 step %scan3A_5  : i32 {
      "tpu.region"() ({
        %run_scoped3A = tpu.sem_alloc : memref<!tpu.dma_semaphore, #tpu.memory_space<semaphore_mem>>
        %dma_start3A = arith.constant 0 : i32
        %dma_start3A_13 = tpu.memref_slice %arg6[%scan3A_12, %dma_start3A] : memref<79x128xi32, #tpu.memory_space<vmem>> -> memref<1x128xi32, #tpu.memory_space<vmem>>
        %dma_start3A_14 = tpu.memref_squeeze %dma_start3A_13 : memref<1x128xi32, #tpu.memory_space<vmem>> -> memref<128xi32, #tpu.memory_space<vmem>>
        %dma_start3A_15 = arith.constant 0 : i32
        %dma_start3A_16 = arith.constant 0 : i32
        %dma_start3A_17 = tpu.memref_slice %arg8[%dma_start3A_15, %dma_start3A_16] : memref<10112x128xf32, #tpu.memory_space<vmem_shared>> -> memref<10112x128xf32, #tpu.memory_space<vmem_shared>>
        tpu.enqueue_indirect_dma source(%arg7 : memref<128x128xf32, #tpu.memory_space<vmem>>) target(%dma_start3A_17 : memref<10112x128xf32, #tpu.memory_space<vmem_shared>>) offsets(%dma_start3A_14 : memref<128xi32, #tpu.memory_space<vmem>>) semaphore(%run_scoped3A : memref<!tpu.dma_semaphore, #tpu.memory_space<semaphore_mem>>) {add = true}
        %dma_wait3A = arith.constant 0 : i32
        %dma_wait3A_18 = tpu.memref_slice %arg6[%scan3A_12, %dma_wait3A] : memref<79x128xi32, #tpu.memory_space<vmem>> -> memref<1x128xi32, #tpu.memory_space<vmem>>
        %dma_wait3A_19 = tpu.memref_squeeze %dma_wait3A_18 : memref<1x128xi32, #tpu.memory_space<vmem>> -> memref<128xi32, #tpu.memory_space<vmem>>
        %dma_wait3A_20 = arith.constant 0 : i32
        %dma_wait3A_21 = arith.constant 0 : i32
        %dma_wait3A_22 = tpu.memref_slice %arg8[%dma_wait3A_20, %dma_wait3A_21] : memref<10112x128xf32, #tpu.memory_space<vmem_shared>> -> memref<10112x128xf32, #tpu.memory_space<vmem_shared>>
        tpu.wait_indirect_dma semaphore(%run_scoped3A : memref<!tpu.dma_semaphore, #tpu.memory_space<semaphore_mem>>) src(%arg7 : memref<128x128xf32, #tpu.memory_space<vmem>>) dst(%dma_wait3A_22 : memref<10112x128xf32, #tpu.memory_space<vmem_shared>>)
        tpu.yield
      }) : () -> ()
    }
    %scan3A_6 = arith.constant 79 : i32
    %barrier3A_7 = arith.constant 0 : index
    tpu.barrier barrier_id(%barrier3A_7)
    %mul3A_8 = arith.constant 632 : i32
    %mul3A_9 = arith.muli %arg1, %mul3A_8 : i32
    %mul3A_10 = arith.constant 632 : i32
    %mul3A_11 = arith.muli %arg1, %mul3A_10 : i32
    "tpu.region"() ({
      %run_scoped3A = tpu.sem_alloc : memref<!tpu.dma_semaphore, #tpu.memory_space<semaphore_mem>>
      %dma_start3A = arith.constant 0 : i32
      %dma_start3A_12 = tpu.memref_slice %arg5[%arg0, %mul3A_11, %dma_start3A] : memref<2x10112x128xf32, #tpu.memory_space<hbm>> -> memref<1x632x128xf32, #tpu.memory_space<hbm>>
      %dma_start3A_13 = tpu.memref_squeeze %dma_start3A_12 : memref<1x632x128xf32, #tpu.memory_space<hbm>> -> memref<632x128xf32, #tpu.memory_space<hbm>>
      %dma_start3A_14 = arith.constant 0 : i32
      %dma_start3A_15 = tpu.memref_slice %arg8[%mul3A_9, %dma_start3A_14] : memref<10112x128xf32, #tpu.memory_space<vmem_shared>> -> memref<632x128xf32, #tpu.memory_space<vmem_shared>>
      tpu.enqueue_dma source(%dma_start3A_15 : memref<632x128xf32, #tpu.memory_space<vmem_shared>>) target(%dma_start3A_13 : memref<632x128xf32, #tpu.memory_space<hbm>>) target_semaphore(%run_scoped3A : memref<!tpu.dma_semaphore, #tpu.memory_space<semaphore_mem>>)
      %dma_wait3A = arith.constant 0 : i32
      %dma_wait3A_16 = tpu.memref_slice %arg5[%arg0, %mul3A_11, %dma_wait3A] : memref<2x10112x128xf32, #tpu.memory_space<hbm>> -> memref<1x632x128xf32, #tpu.memory_space<hbm>>
      %dma_wait3A_17 = tpu.memref_squeeze %dma_wait3A_16 : memref<1x632x128xf32, #tpu.memory_space<hbm>> -> memref<632x128xf32, #tpu.memory_space<hbm>>
      %dma_wait3A_18 = arith.constant 0 : i32
      %dma_wait3A_19 = tpu.memref_slice %arg8[%mul3A_9, %dma_wait3A_18] : memref<10112x128xf32, #tpu.memory_space<vmem_shared>> -> memref<632x128xf32, #tpu.memory_space<vmem_shared>>
      tpu.wait_dma2 semaphore(%run_scoped3A : memref<!tpu.dma_semaphore, #tpu.memory_space<semaphore_mem>>) src(%dma_wait3A_19 : memref<632x128xf32, #tpu.memory_space<vmem_shared>>) dst(%dma_wait3A_17 : memref<632x128xf32, #tpu.memory_space<hbm>>)
      tpu.yield
    }) : () -> ()
    return
  }
}

#map = affine_map<(d0, d1) -> (0, 0)>
#map1 = affine_map<(d0, d1) -> (0, 0, 0)>
module attributes {stable_mosaic.version = 14 : i64} {
  func.func @_agg_body(%arg0: i32, %arg1: i32, %arg2: memref<10112x128xf32, #tpu.memory_space<hbm>>, %arg3: memref<32x79x128xi32, #tpu.memory_space<hbm>>, %arg4: memref<32x79x128xi32, #tpu.memory_space<hbm>>, %arg5: memref<632x128xf32, #tpu.memory_space<hbm>>, %arg6: memref<2x10112x128xf32, #tpu.memory_space<hbm>>, %arg7: memref<79x128xi32, #tpu.memory_space<vmem>>, %arg8: memref<79x128xi32, #tpu.memory_space<vmem>>, %arg9: memref<128x128xf32, #tpu.memory_space<vmem>>, %arg10: memref<10112x128xf32, #tpu.memory_space<vmem_shared>>, %arg11: memref<!tpu.dma_semaphore, #tpu.memory_space<semaphore_mem>>) attributes {dimension_semantics = [#tpu.dimension_semantics<core_parallel>, #tpu.dimension_semantics<subcore_parallel>], iteration_bounds = array<i64: 2, 16>, scalar_prefetch = 0 : i64, scratch_operands = 5 : i64, tpu.core_type = #tpu.core_type<sc_vector_subcore>, window_params = [{transform_indices = #map}, {transform_indices = #map1}, {transform_indices = #map1}, {transform_indices = #map}, {transform_indices = #map1}]} {
    %mul3A = arith.constant 2 : i32
    %mul3A_0 = arith.muli %arg1, %mul3A : i32
    %add3A = arith.addi %mul3A_0, %arg0 : i32
    %mul3A_1 = arith.constant 632 : i32
    %mul3A_2 = arith.muli %arg1, %mul3A_1 : i32
    "tpu.region"() ({
      %run_scoped3A = tpu.sem_alloc : memref<!tpu.dma_semaphore, #tpu.memory_space<semaphore_mem>>
      %dma_start3A = arith.constant 0 : i32
      %dma_start3A_12 = tpu.memref_slice %arg10[%mul3A_2, %dma_start3A] : memref<10112x128xf32, #tpu.memory_space<vmem_shared>> -> memref<632x128xf32, #tpu.memory_space<vmem_shared>>
      tpu.enqueue_dma source(%arg5 : memref<632x128xf32, #tpu.memory_space<hbm>>) target(%dma_start3A_12 : memref<632x128xf32, #tpu.memory_space<vmem_shared>>) target_semaphore(%run_scoped3A : memref<!tpu.dma_semaphore, #tpu.memory_space<semaphore_mem>>)
      %dma_wait3A = arith.constant 0 : i32
      %dma_wait3A_13 = tpu.memref_slice %arg10[%mul3A_2, %dma_wait3A] : memref<10112x128xf32, #tpu.memory_space<vmem_shared>> -> memref<632x128xf32, #tpu.memory_space<vmem_shared>>
      tpu.wait_dma2 semaphore(%run_scoped3A : memref<!tpu.dma_semaphore, #tpu.memory_space<semaphore_mem>>) src(%arg5 : memref<632x128xf32, #tpu.memory_space<hbm>>) dst(%dma_wait3A_13 : memref<632x128xf32, #tpu.memory_space<vmem_shared>>)
      tpu.yield
    }) : () -> ()
    "tpu.region"() ({
      %run_scoped3A = tpu.sem_alloc : memref<!tpu.dma_semaphore, #tpu.memory_space<semaphore_mem>>
      %dma_start3A = arith.constant 0 : i32
      %dma_start3A_12 = arith.constant 0 : i32
      %dma_start3A_13 = tpu.memref_slice %arg3[%add3A, %dma_start3A, %dma_start3A_12] : memref<32x79x128xi32, #tpu.memory_space<hbm>> -> memref<1x79x128xi32, #tpu.memory_space<hbm>>
      %dma_start3A_14 = tpu.memref_squeeze %dma_start3A_13 : memref<1x79x128xi32, #tpu.memory_space<hbm>> -> memref<79x128xi32, #tpu.memory_space<hbm>>
      %dma_start3A_15 = arith.constant 0 : i32
      %dma_start3A_16 = arith.constant 0 : i32
      %dma_start3A_17 = tpu.memref_slice %arg3[%add3A, %dma_start3A_15, %dma_start3A_16] : memref<32x79x128xi32, #tpu.memory_space<hbm>> -> memref<1x79x128xi32, #tpu.memory_space<hbm>>
      %dma_start3A_18 = tpu.memref_squeeze %dma_start3A_17 : memref<1x79x128xi32, #tpu.memory_space<hbm>> -> memref<79x128xi32, #tpu.memory_space<hbm>>
      tpu.enqueue_dma source(%dma_start3A_18 : memref<79x128xi32, #tpu.memory_space<hbm>>) target(%arg7 : memref<79x128xi32, #tpu.memory_space<vmem>>) target_semaphore(%run_scoped3A : memref<!tpu.dma_semaphore, #tpu.memory_space<semaphore_mem>>)
      %dma_wait3A = arith.constant 0 : i32
      %dma_wait3A_19 = arith.constant 0 : i32
      %dma_wait3A_20 = tpu.memref_slice %arg3[%add3A, %dma_wait3A, %dma_wait3A_19] : memref<32x79x128xi32, #tpu.memory_space<hbm>> -> memref<1x79x128xi32, #tpu.memory_space<hbm>>
      %dma_wait3A_21 = tpu.memref_squeeze %dma_wait3A_20 : memref<1x79x128xi32, #tpu.memory_space<hbm>> -> memref<79x128xi32, #tpu.memory_space<hbm>>
      %dma_wait3A_22 = arith.constant 0 : i32
      %dma_wait3A_23 = arith.constant 0 : i32
      %dma_wait3A_24 = tpu.memref_slice %arg3[%add3A, %dma_wait3A_22, %dma_wait3A_23] : memref<32x79x128xi32, #tpu.memory_space<hbm>> -> memref<1x79x128xi32, #tpu.memory_space<hbm>>
      %dma_wait3A_25 = tpu.memref_squeeze %dma_wait3A_24 : memref<1x79x128xi32, #tpu.memory_space<hbm>> -> memref<79x128xi32, #tpu.memory_space<hbm>>
      tpu.wait_dma2 semaphore(%run_scoped3A : memref<!tpu.dma_semaphore, #tpu.memory_space<semaphore_mem>>) src(%dma_wait3A_25 : memref<79x128xi32, #tpu.memory_space<hbm>>) dst(%arg7 : memref<79x128xi32, #tpu.memory_space<vmem>>)
      tpu.yield
    }) : () -> ()
    "tpu.region"() ({
      %run_scoped3A = tpu.sem_alloc : memref<!tpu.dma_semaphore, #tpu.memory_space<semaphore_mem>>
      %dma_start3A = arith.constant 0 : i32
      %dma_start3A_12 = arith.constant 0 : i32
      %dma_start3A_13 = tpu.memref_slice %arg4[%add3A, %dma_start3A, %dma_start3A_12] : memref<32x79x128xi32, #tpu.memory_space<hbm>> -> memref<1x79x128xi32, #tpu.memory_space<hbm>>
      %dma_start3A_14 = tpu.memref_squeeze %dma_start3A_13 : memref<1x79x128xi32, #tpu.memory_space<hbm>> -> memref<79x128xi32, #tpu.memory_space<hbm>>
      %dma_start3A_15 = arith.constant 0 : i32
      %dma_start3A_16 = arith.constant 0 : i32
      %dma_start3A_17 = tpu.memref_slice %arg4[%add3A, %dma_start3A_15, %dma_start3A_16] : memref<32x79x128xi32, #tpu.memory_space<hbm>> -> memref<1x79x128xi32, #tpu.memory_space<hbm>>
      %dma_start3A_18 = tpu.memref_squeeze %dma_start3A_17 : memref<1x79x128xi32, #tpu.memory_space<hbm>> -> memref<79x128xi32, #tpu.memory_space<hbm>>
      tpu.enqueue_dma source(%dma_start3A_18 : memref<79x128xi32, #tpu.memory_space<hbm>>) target(%arg8 : memref<79x128xi32, #tpu.memory_space<vmem>>) target_semaphore(%run_scoped3A : memref<!tpu.dma_semaphore, #tpu.memory_space<semaphore_mem>>)
      %dma_wait3A = arith.constant 0 : i32
      %dma_wait3A_19 = arith.constant 0 : i32
      %dma_wait3A_20 = tpu.memref_slice %arg4[%add3A, %dma_wait3A, %dma_wait3A_19] : memref<32x79x128xi32, #tpu.memory_space<hbm>> -> memref<1x79x128xi32, #tpu.memory_space<hbm>>
      %dma_wait3A_21 = tpu.memref_squeeze %dma_wait3A_20 : memref<1x79x128xi32, #tpu.memory_space<hbm>> -> memref<79x128xi32, #tpu.memory_space<hbm>>
      %dma_wait3A_22 = arith.constant 0 : i32
      %dma_wait3A_23 = arith.constant 0 : i32
      %dma_wait3A_24 = tpu.memref_slice %arg4[%add3A, %dma_wait3A_22, %dma_wait3A_23] : memref<32x79x128xi32, #tpu.memory_space<hbm>> -> memref<1x79x128xi32, #tpu.memory_space<hbm>>
      %dma_wait3A_25 = tpu.memref_squeeze %dma_wait3A_24 : memref<1x79x128xi32, #tpu.memory_space<hbm>> -> memref<79x128xi32, #tpu.memory_space<hbm>>
      tpu.wait_dma2 semaphore(%run_scoped3A : memref<!tpu.dma_semaphore, #tpu.memory_space<semaphore_mem>>) src(%dma_wait3A_25 : memref<79x128xi32, #tpu.memory_space<hbm>>) dst(%arg8 : memref<79x128xi32, #tpu.memory_space<vmem>>)
      tpu.yield
    }) : () -> ()
    %barrier3A = arith.constant 0 : index
    tpu.barrier barrier_id(%barrier3A)
    %scan3A = arith.constant 0 : i32
    %scan3A_3 = arith.constant 79 : i32
    %scan3A_4 = arith.addi %scan3A, %scan3A_3 : i32
    %scan3A_5 = arith.constant 1 : i32
    scf.for %scan3A_12 = %scan3A to %scan3A_4 step %scan3A_5  : i32 {
      %dma_start3A = arith.constant 0 : i32
      %dma_start3A_13 = tpu.memref_slice %arg7[%scan3A_12, %dma_start3A] : memref<79x128xi32, #tpu.memory_space<vmem>> -> memref<1x128xi32, #tpu.memory_space<vmem>>
      %dma_start3A_14 = tpu.memref_squeeze %dma_start3A_13 : memref<1x128xi32, #tpu.memory_space<vmem>> -> memref<128xi32, #tpu.memory_space<vmem>>
      %dma_start3A_15 = arith.constant 0 : i32
      %dma_start3A_16 = arith.constant 0 : i32
      %dma_start3A_17 = tpu.memref_slice %arg2[%dma_start3A_15, %dma_start3A_16] : memref<10112x128xf32, #tpu.memory_space<hbm>> -> memref<10112x128xf32, #tpu.memory_space<hbm>>
      tpu.enqueue_indirect_dma source(%dma_start3A_17 : memref<10112x128xf32, #tpu.memory_space<hbm>>) target(%arg9 : memref<128x128xf32, #tpu.memory_space<vmem>>) offsets(%dma_start3A_14 : memref<128xi32, #tpu.memory_space<vmem>>) semaphore(%arg11 : memref<!tpu.dma_semaphore, #tpu.memory_space<semaphore_mem>>)
      %dma_wait3A = arith.constant 0 : i32
      %dma_wait3A_18 = tpu.memref_slice %arg7[%scan3A_12, %dma_wait3A] : memref<79x128xi32, #tpu.memory_space<vmem>> -> memref<1x128xi32, #tpu.memory_space<vmem>>
      %dma_wait3A_19 = tpu.memref_squeeze %dma_wait3A_18 : memref<1x128xi32, #tpu.memory_space<vmem>> -> memref<128xi32, #tpu.memory_space<vmem>>
      %dma_wait3A_20 = arith.constant 0 : i32
      %dma_wait3A_21 = arith.constant 0 : i32
      %dma_wait3A_22 = tpu.memref_slice %arg2[%dma_wait3A_20, %dma_wait3A_21] : memref<10112x128xf32, #tpu.memory_space<hbm>> -> memref<10112x128xf32, #tpu.memory_space<hbm>>
      tpu.wait_indirect_dma semaphore(%arg11 : memref<!tpu.dma_semaphore, #tpu.memory_space<semaphore_mem>>) src(%dma_wait3A_22 : memref<10112x128xf32, #tpu.memory_space<hbm>>) dst(%arg9 : memref<128x128xf32, #tpu.memory_space<vmem>>)
      "tpu.region"() ({
        %run_scoped3A = tpu.sem_alloc : memref<!tpu.dma_semaphore, #tpu.memory_space<semaphore_mem>>
        %dma_start3A_23 = arith.constant 0 : i32
        %dma_start3A_24 = tpu.memref_slice %arg8[%scan3A_12, %dma_start3A_23] : memref<79x128xi32, #tpu.memory_space<vmem>> -> memref<1x128xi32, #tpu.memory_space<vmem>>
        %dma_start3A_25 = tpu.memref_squeeze %dma_start3A_24 : memref<1x128xi32, #tpu.memory_space<vmem>> -> memref<128xi32, #tpu.memory_space<vmem>>
        %dma_start3A_26 = arith.constant 0 : i32
        %dma_start3A_27 = arith.constant 0 : i32
        %dma_start3A_28 = tpu.memref_slice %arg10[%dma_start3A_26, %dma_start3A_27] : memref<10112x128xf32, #tpu.memory_space<vmem_shared>> -> memref<10112x128xf32, #tpu.memory_space<vmem_shared>>
        tpu.enqueue_indirect_dma source(%arg9 : memref<128x128xf32, #tpu.memory_space<vmem>>) target(%dma_start3A_28 : memref<10112x128xf32, #tpu.memory_space<vmem_shared>>) offsets(%dma_start3A_25 : memref<128xi32, #tpu.memory_space<vmem>>) semaphore(%run_scoped3A : memref<!tpu.dma_semaphore, #tpu.memory_space<semaphore_mem>>) {add = true}
        %dma_wait3A_29 = arith.constant 0 : i32
        %dma_wait3A_30 = tpu.memref_slice %arg8[%scan3A_12, %dma_wait3A_29] : memref<79x128xi32, #tpu.memory_space<vmem>> -> memref<1x128xi32, #tpu.memory_space<vmem>>
        %dma_wait3A_31 = tpu.memref_squeeze %dma_wait3A_30 : memref<1x128xi32, #tpu.memory_space<vmem>> -> memref<128xi32, #tpu.memory_space<vmem>>
        %dma_wait3A_32 = arith.constant 0 : i32
        %dma_wait3A_33 = arith.constant 0 : i32
        %dma_wait3A_34 = tpu.memref_slice %arg10[%dma_wait3A_32, %dma_wait3A_33] : memref<10112x128xf32, #tpu.memory_space<vmem_shared>> -> memref<10112x128xf32, #tpu.memory_space<vmem_shared>>
        tpu.wait_indirect_dma semaphore(%run_scoped3A : memref<!tpu.dma_semaphore, #tpu.memory_space<semaphore_mem>>) src(%arg9 : memref<128x128xf32, #tpu.memory_space<vmem>>) dst(%dma_wait3A_34 : memref<10112x128xf32, #tpu.memory_space<vmem_shared>>)
        tpu.yield
      }) : () -> ()
    }
    %scan3A_6 = arith.constant 79 : i32
    %barrier3A_7 = arith.constant 0 : index
    tpu.barrier barrier_id(%barrier3A_7)
    %mul3A_8 = arith.constant 632 : i32
    %mul3A_9 = arith.muli %arg1, %mul3A_8 : i32
    %mul3A_10 = arith.constant 632 : i32
    %mul3A_11 = arith.muli %arg1, %mul3A_10 : i32
    "tpu.region"() ({
      %run_scoped3A = tpu.sem_alloc : memref<!tpu.dma_semaphore, #tpu.memory_space<semaphore_mem>>
      %dma_start3A = arith.constant 0 : i32
      %dma_start3A_12 = tpu.memref_slice %arg6[%arg0, %mul3A_11, %dma_start3A] : memref<2x10112x128xf32, #tpu.memory_space<hbm>> -> memref<1x632x128xf32, #tpu.memory_space<hbm>>
      %dma_start3A_13 = tpu.memref_squeeze %dma_start3A_12 : memref<1x632x128xf32, #tpu.memory_space<hbm>> -> memref<632x128xf32, #tpu.memory_space<hbm>>
      %dma_start3A_14 = arith.constant 0 : i32
      %dma_start3A_15 = tpu.memref_slice %arg10[%mul3A_9, %dma_start3A_14] : memref<10112x128xf32, #tpu.memory_space<vmem_shared>> -> memref<632x128xf32, #tpu.memory_space<vmem_shared>>
      tpu.enqueue_dma source(%dma_start3A_15 : memref<632x128xf32, #tpu.memory_space<vmem_shared>>) target(%dma_start3A_13 : memref<632x128xf32, #tpu.memory_space<hbm>>) target_semaphore(%run_scoped3A : memref<!tpu.dma_semaphore, #tpu.memory_space<semaphore_mem>>)
      %dma_wait3A = arith.constant 0 : i32
      %dma_wait3A_16 = tpu.memref_slice %arg6[%arg0, %mul3A_11, %dma_wait3A] : memref<2x10112x128xf32, #tpu.memory_space<hbm>> -> memref<1x632x128xf32, #tpu.memory_space<hbm>>
      %dma_wait3A_17 = tpu.memref_squeeze %dma_wait3A_16 : memref<1x632x128xf32, #tpu.memory_space<hbm>> -> memref<632x128xf32, #tpu.memory_space<hbm>>
      %dma_wait3A_18 = arith.constant 0 : i32
      %dma_wait3A_19 = tpu.memref_slice %arg10[%mul3A_9, %dma_wait3A_18] : memref<10112x128xf32, #tpu.memory_space<vmem_shared>> -> memref<632x128xf32, #tpu.memory_space<vmem_shared>>
      tpu.wait_dma2 semaphore(%run_scoped3A : memref<!tpu.dma_semaphore, #tpu.memory_space<semaphore_mem>>) src(%dma_wait3A_19 : memref<632x128xf32, #tpu.memory_space<vmem_shared>>) dst(%dma_wait3A_17 : memref<632x128xf32, #tpu.memory_space<hbm>>)
      tpu.yield
    }) : () -> ()
    return
  }
}

#map = affine_map<(d0, d1) -> (0, 0)>
#map1 = affine_map<(d0, d1) -> (0, 0, 0)>
module attributes {stable_mosaic.version = 14 : i64} {
  func.func @_agg_body(%arg0: i32, %arg1: i32, %arg2: memref<10112x128xf32, #tpu.memory_space<hbm>>, %arg3: memref<32x79x128xi32, #tpu.memory_space<hbm>>, %arg4: memref<32x79x128xi32, #tpu.memory_space<hbm>>, %arg5: memref<632x128xf32, #tpu.memory_space<hbm>>, %arg6: memref<2x10112x128xf32, #tpu.memory_space<hbm>>, %arg7: memref<79x128xi32, #tpu.memory_space<vmem>>, %arg8: memref<79x128xi32, #tpu.memory_space<vmem>>, %arg9: memref<128x128xf32, #tpu.memory_space<vmem>>, %arg10: memref<10112x128xf32, #tpu.memory_space<vmem_shared>>, %arg11: memref<!tpu.dma_semaphore, #tpu.memory_space<semaphore_mem>>) attributes {dimension_semantics = [#tpu.dimension_semantics<core_parallel>, #tpu.dimension_semantics<subcore_parallel>], iteration_bounds = array<i64: 2, 16>, scalar_prefetch = 0 : i64, scratch_operands = 5 : i64, tpu.core_type = #tpu.core_type<sc_vector_subcore>, window_params = [{transform_indices = #map}, {transform_indices = #map1}, {transform_indices = #map1}, {transform_indices = #map}, {transform_indices = #map1}]} {
    %mul3A = arith.constant 2 : i32
    %mul3A_0 = arith.muli %arg1, %mul3A : i32
    %add3A = arith.addi %mul3A_0, %arg0 : i32
    %mul3A_1 = arith.constant 632 : i32
    %mul3A_2 = arith.muli %arg1, %mul3A_1 : i32
    "tpu.region"() ({
      %run_scoped3A = tpu.sem_alloc : memref<!tpu.dma_semaphore, #tpu.memory_space<semaphore_mem>>
      %dma_start3A = arith.constant 0 : i32
      %dma_start3A_12 = tpu.memref_slice %arg10[%mul3A_2, %dma_start3A] : memref<10112x128xf32, #tpu.memory_space<vmem_shared>> -> memref<632x128xf32, #tpu.memory_space<vmem_shared>>
      tpu.enqueue_dma source(%arg5 : memref<632x128xf32, #tpu.memory_space<hbm>>) target(%dma_start3A_12 : memref<632x128xf32, #tpu.memory_space<vmem_shared>>) target_semaphore(%run_scoped3A : memref<!tpu.dma_semaphore, #tpu.memory_space<semaphore_mem>>)
      %dma_wait3A = arith.constant 0 : i32
      %dma_wait3A_13 = tpu.memref_slice %arg10[%mul3A_2, %dma_wait3A] : memref<10112x128xf32, #tpu.memory_space<vmem_shared>> -> memref<632x128xf32, #tpu.memory_space<vmem_shared>>
      tpu.wait_dma2 semaphore(%run_scoped3A : memref<!tpu.dma_semaphore, #tpu.memory_space<semaphore_mem>>) src(%arg5 : memref<632x128xf32, #tpu.memory_space<hbm>>) dst(%dma_wait3A_13 : memref<632x128xf32, #tpu.memory_space<vmem_shared>>)
      tpu.yield
    }) : () -> ()
    "tpu.region"() ({
      %run_scoped3A = tpu.sem_alloc : memref<!tpu.dma_semaphore, #tpu.memory_space<semaphore_mem>>
      %dma_start3A = arith.constant 0 : i32
      %dma_start3A_12 = arith.constant 0 : i32
      %dma_start3A_13 = tpu.memref_slice %arg3[%add3A, %dma_start3A, %dma_start3A_12] : memref<32x79x128xi32, #tpu.memory_space<hbm>> -> memref<1x79x128xi32, #tpu.memory_space<hbm>>
      %dma_start3A_14 = tpu.memref_squeeze %dma_start3A_13 : memref<1x79x128xi32, #tpu.memory_space<hbm>> -> memref<79x128xi32, #tpu.memory_space<hbm>>
      %dma_start3A_15 = arith.constant 0 : i32
      %dma_start3A_16 = arith.constant 0 : i32
      %dma_start3A_17 = tpu.memref_slice %arg3[%add3A, %dma_start3A_15, %dma_start3A_16] : memref<32x79x128xi32, #tpu.memory_space<hbm>> -> memref<1x79x128xi32, #tpu.memory_space<hbm>>
      %dma_start3A_18 = tpu.memref_squeeze %dma_start3A_17 : memref<1x79x128xi32, #tpu.memory_space<hbm>> -> memref<79x128xi32, #tpu.memory_space<hbm>>
      tpu.enqueue_dma source(%dma_start3A_18 : memref<79x128xi32, #tpu.memory_space<hbm>>) target(%arg7 : memref<79x128xi32, #tpu.memory_space<vmem>>) target_semaphore(%run_scoped3A : memref<!tpu.dma_semaphore, #tpu.memory_space<semaphore_mem>>)
      %dma_wait3A = arith.constant 0 : i32
      %dma_wait3A_19 = arith.constant 0 : i32
      %dma_wait3A_20 = tpu.memref_slice %arg3[%add3A, %dma_wait3A, %dma_wait3A_19] : memref<32x79x128xi32, #tpu.memory_space<hbm>> -> memref<1x79x128xi32, #tpu.memory_space<hbm>>
      %dma_wait3A_21 = tpu.memref_squeeze %dma_wait3A_20 : memref<1x79x128xi32, #tpu.memory_space<hbm>> -> memref<79x128xi32, #tpu.memory_space<hbm>>
      %dma_wait3A_22 = arith.constant 0 : i32
      %dma_wait3A_23 = arith.constant 0 : i32
      %dma_wait3A_24 = tpu.memref_slice %arg3[%add3A, %dma_wait3A_22, %dma_wait3A_23] : memref<32x79x128xi32, #tpu.memory_space<hbm>> -> memref<1x79x128xi32, #tpu.memory_space<hbm>>
      %dma_wait3A_25 = tpu.memref_squeeze %dma_wait3A_24 : memref<1x79x128xi32, #tpu.memory_space<hbm>> -> memref<79x128xi32, #tpu.memory_space<hbm>>
      tpu.wait_dma2 semaphore(%run_scoped3A : memref<!tpu.dma_semaphore, #tpu.memory_space<semaphore_mem>>) src(%dma_wait3A_25 : memref<79x128xi32, #tpu.memory_space<hbm>>) dst(%arg7 : memref<79x128xi32, #tpu.memory_space<vmem>>)
      tpu.yield
    }) : () -> ()
    "tpu.region"() ({
      %run_scoped3A = tpu.sem_alloc : memref<!tpu.dma_semaphore, #tpu.memory_space<semaphore_mem>>
      %dma_start3A = arith.constant 0 : i32
      %dma_start3A_12 = arith.constant 0 : i32
      %dma_start3A_13 = tpu.memref_slice %arg4[%add3A, %dma_start3A, %dma_start3A_12] : memref<32x79x128xi32, #tpu.memory_space<hbm>> -> memref<1x79x128xi32, #tpu.memory_space<hbm>>
      %dma_start3A_14 = tpu.memref_squeeze %dma_start3A_13 : memref<1x79x128xi32, #tpu.memory_space<hbm>> -> memref<79x128xi32, #tpu.memory_space<hbm>>
      %dma_start3A_15 = arith.constant 0 : i32
      %dma_start3A_16 = arith.constant 0 : i32
      %dma_start3A_17 = tpu.memref_slice %arg4[%add3A, %dma_start3A_15, %dma_start3A_16] : memref<32x79x128xi32, #tpu.memory_space<hbm>> -> memref<1x79x128xi32, #tpu.memory_space<hbm>>
      %dma_start3A_18 = tpu.memref_squeeze %dma_start3A_17 : memref<1x79x128xi32, #tpu.memory_space<hbm>> -> memref<79x128xi32, #tpu.memory_space<hbm>>
      tpu.enqueue_dma source(%dma_start3A_18 : memref<79x128xi32, #tpu.memory_space<hbm>>) target(%arg8 : memref<79x128xi32, #tpu.memory_space<vmem>>) target_semaphore(%run_scoped3A : memref<!tpu.dma_semaphore, #tpu.memory_space<semaphore_mem>>)
      %dma_wait3A = arith.constant 0 : i32
      %dma_wait3A_19 = arith.constant 0 : i32
      %dma_wait3A_20 = tpu.memref_slice %arg4[%add3A, %dma_wait3A, %dma_wait3A_19] : memref<32x79x128xi32, #tpu.memory_space<hbm>> -> memref<1x79x128xi32, #tpu.memory_space<hbm>>
      %dma_wait3A_21 = tpu.memref_squeeze %dma_wait3A_20 : memref<1x79x128xi32, #tpu.memory_space<hbm>> -> memref<79x128xi32, #tpu.memory_space<hbm>>
      %dma_wait3A_22 = arith.constant 0 : i32
      %dma_wait3A_23 = arith.constant 0 : i32
      %dma_wait3A_24 = tpu.memref_slice %arg4[%add3A, %dma_wait3A_22, %dma_wait3A_23] : memref<32x79x128xi32, #tpu.memory_space<hbm>> -> memref<1x79x128xi32, #tpu.memory_space<hbm>>
      %dma_wait3A_25 = tpu.memref_squeeze %dma_wait3A_24 : memref<1x79x128xi32, #tpu.memory_space<hbm>> -> memref<79x128xi32, #tpu.memory_space<hbm>>
      tpu.wait_dma2 semaphore(%run_scoped3A : memref<!tpu.dma_semaphore, #tpu.memory_space<semaphore_mem>>) src(%dma_wait3A_25 : memref<79x128xi32, #tpu.memory_space<hbm>>) dst(%arg8 : memref<79x128xi32, #tpu.memory_space<vmem>>)
      tpu.yield
    }) : () -> ()
    %barrier3A = arith.constant 0 : index
    tpu.barrier barrier_id(%barrier3A)
    %scan3A = arith.constant 0 : i32
    %scan3A_3 = arith.constant 79 : i32
    %scan3A_4 = arith.addi %scan3A, %scan3A_3 : i32
    %scan3A_5 = arith.constant 1 : i32
    scf.for %scan3A_12 = %scan3A to %scan3A_4 step %scan3A_5  : i32 {
      %dma_start3A = arith.constant 0 : i32
      %dma_start3A_13 = tpu.memref_slice %arg7[%scan3A_12, %dma_start3A] : memref<79x128xi32, #tpu.memory_space<vmem>> -> memref<1x128xi32, #tpu.memory_space<vmem>>
      %dma_start3A_14 = tpu.memref_squeeze %dma_start3A_13 : memref<1x128xi32, #tpu.memory_space<vmem>> -> memref<128xi32, #tpu.memory_space<vmem>>
      %dma_start3A_15 = arith.constant 0 : i32
      %dma_start3A_16 = arith.constant 0 : i32
      %dma_start3A_17 = tpu.memref_slice %arg2[%dma_start3A_15, %dma_start3A_16] : memref<10112x128xf32, #tpu.memory_space<hbm>> -> memref<10112x128xf32, #tpu.memory_space<hbm>>
      tpu.enqueue_indirect_dma source(%dma_start3A_17 : memref<10112x128xf32, #tpu.memory_space<hbm>>) target(%arg9 : memref<128x128xf32, #tpu.memory_space<vmem>>) offsets(%dma_start3A_14 : memref<128xi32, #tpu.memory_space<vmem>>) semaphore(%arg11 : memref<!tpu.dma_semaphore, #tpu.memory_space<semaphore_mem>>)
      %dma_wait3A = arith.constant 0 : i32
      %dma_wait3A_18 = tpu.memref_slice %arg7[%scan3A_12, %dma_wait3A] : memref<79x128xi32, #tpu.memory_space<vmem>> -> memref<1x128xi32, #tpu.memory_space<vmem>>
      %dma_wait3A_19 = tpu.memref_squeeze %dma_wait3A_18 : memref<1x128xi32, #tpu.memory_space<vmem>> -> memref<128xi32, #tpu.memory_space<vmem>>
      %dma_wait3A_20 = arith.constant 0 : i32
      %dma_wait3A_21 = arith.constant 0 : i32
      %dma_wait3A_22 = tpu.memref_slice %arg2[%dma_wait3A_20, %dma_wait3A_21] : memref<10112x128xf32, #tpu.memory_space<hbm>> -> memref<10112x128xf32, #tpu.memory_space<hbm>>
      tpu.wait_indirect_dma semaphore(%arg11 : memref<!tpu.dma_semaphore, #tpu.memory_space<semaphore_mem>>) src(%dma_wait3A_22 : memref<10112x128xf32, #tpu.memory_space<hbm>>) dst(%arg9 : memref<128x128xf32, #tpu.memory_space<vmem>>)
      "tpu.region"() ({
        %run_scoped3A = tpu.sem_alloc : memref<!tpu.dma_semaphore, #tpu.memory_space<semaphore_mem>>
        %dma_start3A_23 = arith.constant 0 : i32
        %dma_start3A_24 = tpu.memref_slice %arg8[%scan3A_12, %dma_start3A_23] : memref<79x128xi32, #tpu.memory_space<vmem>> -> memref<1x128xi32, #tpu.memory_space<vmem>>
        %dma_start3A_25 = tpu.memref_squeeze %dma_start3A_24 : memref<1x128xi32, #tpu.memory_space<vmem>> -> memref<128xi32, #tpu.memory_space<vmem>>
        %dma_start3A_26 = arith.constant 0 : i32
        %dma_start3A_27 = arith.constant 0 : i32
        %dma_start3A_28 = tpu.memref_slice %arg10[%dma_start3A_26, %dma_start3A_27] : memref<10112x128xf32, #tpu.memory_space<vmem_shared>> -> memref<10112x128xf32, #tpu.memory_space<vmem_shared>>
        tpu.enqueue_indirect_dma source(%arg9 : memref<128x128xf32, #tpu.memory_space<vmem>>) target(%dma_start3A_28 : memref<10112x128xf32, #tpu.memory_space<vmem_shared>>) offsets(%dma_start3A_25 : memref<128xi32, #tpu.memory_space<vmem>>) semaphore(%run_scoped3A : memref<!tpu.dma_semaphore, #tpu.memory_space<semaphore_mem>>) {add = true}
        %dma_wait3A_29 = arith.constant 0 : i32
        %dma_wait3A_30 = tpu.memref_slice %arg8[%scan3A_12, %dma_wait3A_29] : memref<79x128xi32, #tpu.memory_space<vmem>> -> memref<1x128xi32, #tpu.memory_space<vmem>>
        %dma_wait3A_31 = tpu.memref_squeeze %dma_wait3A_30 : memref<1x128xi32, #tpu.memory_space<vmem>> -> memref<128xi32, #tpu.memory_space<vmem>>
        %dma_wait3A_32 = arith.constant 0 : i32
        %dma_wait3A_33 = arith.constant 0 : i32
        %dma_wait3A_34 = tpu.memref_slice %arg10[%dma_wait3A_32, %dma_wait3A_33] : memref<10112x128xf32, #tpu.memory_space<vmem_shared>> -> memref<10112x128xf32, #tpu.memory_space<vmem_shared>>
        tpu.wait_indirect_dma semaphore(%run_scoped3A : memref<!tpu.dma_semaphore, #tpu.memory_space<semaphore_mem>>) src(%arg9 : memref<128x128xf32, #tpu.memory_space<vmem>>) dst(%dma_wait3A_34 : memref<10112x128xf32, #tpu.memory_space<vmem_shared>>)
        tpu.yield
      }) : () -> ()
    }
    %scan3A_6 = arith.constant 79 : i32
    %barrier3A_7 = arith.constant 0 : index
    tpu.barrier barrier_id(%barrier3A_7)
    %mul3A_8 = arith.constant 632 : i32
    %mul3A_9 = arith.muli %arg1, %mul3A_8 : i32
    %mul3A_10 = arith.constant 632 : i32
    %mul3A_11 = arith.muli %arg1, %mul3A_10 : i32
    "tpu.region"() ({
      %run_scoped3A = tpu.sem_alloc : memref<!tpu.dma_semaphore, #tpu.memory_space<semaphore_mem>>
      %dma_start3A = arith.constant 0 : i32
      %dma_start3A_12 = tpu.memref_slice %arg6[%arg0, %mul3A_11, %dma_start3A] : memref<2x10112x128xf32, #tpu.memory_space<hbm>> -> memref<1x632x128xf32, #tpu.memory_space<hbm>>
      %dma_start3A_13 = tpu.memref_squeeze %dma_start3A_12 : memref<1x632x128xf32, #tpu.memory_space<hbm>> -> memref<632x128xf32, #tpu.memory_space<hbm>>
      %dma_start3A_14 = arith.constant 0 : i32
      %dma_start3A_15 = tpu.memref_slice %arg10[%mul3A_9, %dma_start3A_14] : memref<10112x128xf32, #tpu.memory_space<vmem_shared>> -> memref<632x128xf32, #tpu.memory_space<vmem_shared>>
      tpu.enqueue_dma source(%dma_start3A_15 : memref<632x128xf32, #tpu.memory_space<vmem_shared>>) target(%dma_start3A_13 : memref<632x128xf32, #tpu.memory_space<hbm>>) target_semaphore(%run_scoped3A : memref<!tpu.dma_semaphore, #tpu.memory_space<semaphore_mem>>)
      %dma_wait3A = arith.constant 0 : i32
      %dma_wait3A_16 = tpu.memref_slice %arg6[%arg0, %mul3A_11, %dma_wait3A] : memref<2x10112x128xf32, #tpu.memory_space<hbm>> -> memref<1x632x128xf32, #tpu.memory_space<hbm>>
      %dma_wait3A_17 = tpu.memref_squeeze %dma_wait3A_16 : memref<1x632x128xf32, #tpu.memory_space<hbm>> -> memref<632x128xf32, #tpu.memory_space<hbm>>
      %dma_wait3A_18 = arith.constant 0 : i32
      %dma_wait3A_19 = tpu.memref_slice %arg10[%mul3A_9, %dma_wait3A_18] : memref<10112x128xf32, #tpu.memory_space<vmem_shared>> -> memref<632x128xf32, #tpu.memory_space<vmem_shared>>
      tpu.wait_dma2 semaphore(%run_scoped3A : memref<!tpu.dma_semaphore, #tpu.memory_space<semaphore_mem>>) src(%dma_wait3A_19 : memref<632x128xf32, #tpu.memory_space<vmem_shared>>) dst(%dma_wait3A_17 : memref<632x128xf32, #tpu.memory_space<hbm>>)
      tpu.yield
    }) : () -> ()
    return
  }
}

module attributes {stable_mosaic.version = 14 : i64} {
  func.func @_t1_body(%arg0: i32, %arg1: memref<1264x128xf32, #tpu.memory_space<vmem>>, %arg2: memref<128x128xf32, #tpu.memory_space<vmem>>, %arg3: memref<2x1264x128xf32, #tpu.memory_space<vmem>>, %arg4: memref<1264x128xf32, #tpu.memory_space<vmem>>, %arg5: memref<1264x128xf32, #tpu.memory_space<vmem>>) attributes {dimension_semantics = [#tpu.dimension_semantics<arbitrary>], iteration_bounds = array<i64: 8>, scalar_prefetch = 0 : i64, scratch_operands = 0 : i64, tpu.core_type = #tpu.core_type<tc>, window_params = [{transform_indices = @transform_0, window_bounds = array<i64: 1264, 128>}, {pipeline_mode = #tpu.pipeline_mode<synchronous>, transform_indices = @transform_1, window_bounds = array<i64: 128, 128>}, {transform_indices = @transform_2, window_bounds = array<i64: 2, 1264, 128>}, {transform_indices = @transform_3, window_bounds = array<i64: 1264, 128>}, {transform_indices = @transform_4, window_bounds = array<i64: 1264, 128>}]} {
    %get3A = arith.constant 0 : index
    %get3A_0 = arith.constant 0 : index
    %get3A_1 = arith.constant 0 : index
    %get3A_2 = vector.load %arg3[%get3A, %get3A_0, %get3A_1] : memref<2x1264x128xf32, #tpu.memory_space<vmem>>, vector<2x1264x128xf32>
    %slice3A = vector.extract_strided_slice %get3A_2 {offsets = [0, 0, 0], sizes = [1, 1264, 1], strides = [1, 1, 1]} : vector<2x1264x128xf32> to vector<1x1264x1xf32>
    %squeeze3A = vector.shape_cast %slice3A : vector<1x1264x1xf32> to vector<1264x1xf32>
    %slice3A_3 = vector.extract_strided_slice %get3A_2 {offsets = [1, 0, 0], sizes = [1, 1264, 1], strides = [1, 1, 1]} : vector<2x1264x128xf32> to vector<1x1264x1xf32>
    %squeeze3A_4 = vector.shape_cast %slice3A_3 : vector<1x1264x1xf32> to vector<1264x1xf32>
    %add3A = arith.addf %squeeze3A, %squeeze3A_4 : vector<1264x1xf32>
    %add3A_5 = arith.constant 1.000000e+00 : f32
    %add3A_6 = vector.broadcast %add3A_5 : f32 to vector<1264x1xf32>
    %add3A_7 = arith.addf %add3A, %add3A_6 : vector<1264x1xf32>
    %rsqrt3A = math.rsqrt %add3A_7 : vector<1264x1xf32>
    %get3A_8 = arith.constant 0 : index
    %get3A_9 = arith.constant 0 : index
    %get3A_10 = vector.load %arg1[%get3A_8, %get3A_9] : memref<1264x128xf32, #tpu.memory_space<vmem>>, vector<1264x128xf32>
    %get3A_11 = arith.constant 0 : index
    %get3A_12 = arith.constant 0 : index
    %get3A_13 = vector.load %arg2[%get3A_11, %get3A_12] : memref<128x128xf32, #tpu.memory_space<vmem>>, vector<128x128xf32>
    %dot_general3A = arith.constant dense<0.000000e+00> : vector<1264x128xf32>
    %dot_general3A_14 = tpu.matmul %get3A_10, %get3A_13, %dot_general3A {dimension_numbers = #tpu.dot_dimension_numbers<[1], [0], [0], [1], [0, 0, 1, 1], [], []>, precision = #tpu.contract_precision<fp32>, transpose_lhs_hint = false} : vector<1264x128xf32>, vector<128x128xf32>, vector<1264x128xf32> -> vector<1264x128xf32>
    %mul3A = vector.broadcast %rsqrt3A : vector<1264x1xf32> to vector<1264x128xf32>
    %mul3A_15 = arith.mulf %dot_general3A_14, %mul3A : vector<1264x128xf32>
    %swap3A = arith.constant 0 : index
    %swap3A_16 = arith.constant 0 : index
    %swap3A_17 = vector.load %arg4[%swap3A, %swap3A_16] : memref<1264x128xf32, #tpu.memory_space<vmem>>, vector<1264x128xf32>
    tpu.vector_store %arg4[%swap3A, %swap3A_16], %mul3A_15 {strides = array<i32>} : memref<1264x128xf32, #tpu.memory_space<vmem>>, vector<1264x128xf32>,
    %mul3A_18 = vector.broadcast %rsqrt3A : vector<1264x1xf32> to vector<1264x128xf32>
    %mul3A_19 = arith.mulf %mul3A_15, %mul3A_18 : vector<1264x128xf32>
    %swap3A_20 = arith.constant 0 : index
    %swap3A_21 = arith.constant 0 : index
    %swap3A_22 = vector.load %arg5[%swap3A_20, %swap3A_21] : memref<1264x128xf32, #tpu.memory_space<vmem>>, vector<1264x128xf32>
    tpu.vector_store %arg5[%swap3A_20, %swap3A_21], %mul3A_19 {strides = array<i32>} : memref<1264x128xf32, #tpu.memory_space<vmem>>, vector<1264x128xf32>,
    return
  }
  func.func @transform_0(%arg0: i32) -> (i32, i32) {
    %c0_i32 = arith.constant 0 : i32
    %c0_i32_0 = arith.constant 0 : i32
    return %arg0, %c0_i32 : i32, i32
  }
  func.func @transform_1(%arg0: i32) -> (i32, i32) {
    %c0_i32 = arith.constant 0 : i32
    %c0_i32_0 = arith.constant 0 : i32
    %c0_i32_1 = arith.constant 0 : i32
    return %c0_i32, %c0_i32_0 : i32, i32
  }
  func.func @transform_2(%arg0: i32) -> (i32, i32, i32) {
    %c0_i32 = arith.constant 0 : i32
    %c0_i32_0 = arith.constant 0 : i32
    %c0_i32_1 = arith.constant 0 : i32
    return %c0_i32, %arg0, %c0_i32_0 : i32, i32, i32
  }
  func.func @transform_3(%arg0: i32) -> (i32, i32) {
    %c0_i32 = arith.constant 0 : i32
    %c0_i32_0 = arith.constant 0 : i32
    return %arg0, %c0_i32 : i32, i32
  }
  func.func @transform_4(%arg0: i32) -> (i32, i32) {
    %c0_i32 = arith.constant 0 : i32
    %c0_i32_0 = arith.constant 0 : i32
    return %arg0, %c0_i32 : i32, i32
  }
}

module attributes {stable_mosaic.version = 14 : i64} {
  func.func @_t2_body(%arg0: i32, %arg1: memref<2x1264x128xf32, #tpu.memory_space<vmem>>, %arg2: memref<2x1264x128xf32, #tpu.memory_space<vmem>>, %arg3: memref<1264x128xf32, #tpu.memory_space<vmem>>, %arg4: memref<1x128xf32, #tpu.memory_space<vmem>>, %arg5: memref<128x128xf32, #tpu.memory_space<vmem>>, %arg6: memref<1264x128xf32, #tpu.memory_space<vmem>>, %arg7: memref<1264x128xf32, #tpu.memory_space<vmem>>) attributes {dimension_semantics = [#tpu.dimension_semantics<arbitrary>], iteration_bounds = array<i64: 8>, scalar_prefetch = 0 : i64, scratch_operands = 0 : i64, tpu.core_type = #tpu.core_type<tc>, window_params = [{transform_indices = @transform_0, window_bounds = array<i64: 2, 1264, 128>}, {transform_indices = @transform_1, window_bounds = array<i64: 2, 1264, 128>}, {transform_indices = @transform_2, window_bounds = array<i64: 1264, 128>}, {pipeline_mode = #tpu.pipeline_mode<synchronous>, transform_indices = @transform_3, window_bounds = array<i64: 1, 128>}, {pipeline_mode = #tpu.pipeline_mode<synchronous>, transform_indices = @transform_4, window_bounds = array<i64: 128, 128>}, {transform_indices = @transform_5, window_bounds = array<i64: 1264, 128>}, {transform_indices = @transform_6, window_bounds = array<i64: 1264, 128>}]} {
    %get3A = arith.constant 0 : index
    %get3A_0 = arith.constant 0 : index
    %get3A_1 = arith.constant 0 : index
    %get3A_2 = vector.load %arg2[%get3A, %get3A_0, %get3A_1] : memref<2x1264x128xf32, #tpu.memory_space<vmem>>, vector<2x1264x128xf32>
    %slice3A = vector.extract_strided_slice %get3A_2 {offsets = [0, 0, 0], sizes = [1, 1264, 1], strides = [1, 1, 1]} : vector<2x1264x128xf32> to vector<1x1264x1xf32>
    %squeeze3A = vector.shape_cast %slice3A : vector<1x1264x1xf32> to vector<1264x1xf32>
    %slice3A_3 = vector.extract_strided_slice %get3A_2 {offsets = [1, 0, 0], sizes = [1, 1264, 1], strides = [1, 1, 1]} : vector<2x1264x128xf32> to vector<1x1264x1xf32>
    %squeeze3A_4 = vector.shape_cast %slice3A_3 : vector<1x1264x1xf32> to vector<1264x1xf32>
    %add3A = arith.addf %squeeze3A, %squeeze3A_4 : vector<1264x1xf32>
    %add3A_5 = arith.constant 1.000000e+00 : f32
    %add3A_6 = vector.broadcast %add3A_5 : f32 to vector<1264x1xf32>
    %add3A_7 = arith.addf %add3A, %add3A_6 : vector<1264x1xf32>
    %rsqrt3A = math.rsqrt %add3A_7 : vector<1264x1xf32>
    %get3A_8 = arith.constant 0 : index
    %get3A_9 = arith.constant 0 : index
    %get3A_10 = arith.constant 0 : index
    %get3A_11 = vector.load %arg1[%get3A_8, %get3A_9, %get3A_10] : memref<2x1264x128xf32, #tpu.memory_space<vmem>>, vector<1x1264x128xf32>
    %get3A_12 = vector.shape_cast %get3A_11 : vector<1x1264x128xf32> to vector<1264x128xf32>
    %get3A_13 = arith.constant 1 : index
    %get3A_14 = arith.constant 0 : index
    %get3A_15 = arith.constant 0 : index
    %get3A_16 = vector.load %arg1[%get3A_13, %get3A_14, %get3A_15] : memref<2x1264x128xf32, #tpu.memory_space<vmem>>, vector<1x1264x128xf32>
    %get3A_17 = vector.shape_cast %get3A_16 : vector<1x1264x128xf32> to vector<1264x128xf32>
    %add3A_18 = arith.addf %get3A_12, %get3A_17 : vector<1264x128xf32>
    %mul3A = vector.broadcast %rsqrt3A : vector<1264x1xf32> to vector<1264x128xf32>
    %mul3A_19 = arith.mulf %mul3A, %add3A_18 : vector<1264x128xf32>
    %get3A_20 = arith.constant 0 : index
    %get3A_21 = arith.constant 0 : index
    %get3A_22 = vector.load %arg3[%get3A_20, %get3A_21] : memref<1264x128xf32, #tpu.memory_space<vmem>>, vector<1264x128xf32>
    %add3A_23 = arith.addf %mul3A_19, %get3A_22 : vector<1264x128xf32>
    %get3A_24 = arith.constant 0 : index
    %get3A_25 = arith.constant 0 : index
    %get3A_26 = vector.load %arg4[%get3A_24, %get3A_25] : memref<1x128xf32, #tpu.memory_space<vmem>>, vector<1x128xf32>
    %add3A_27 = vector.broadcast %get3A_26 : vector<1x128xf32> to vector<1264x128xf32>
    %add3A_28 = arith.addf %add3A_23, %add3A_27 : vector<1264x128xf32>
    %max3A = arith.constant 0.000000e+00 : f32
    %max3A_29 = vector.broadcast %max3A : f32 to vector<1264x128xf32>
    %max3A_30 = arith.maximumf %add3A_28, %max3A_29 : vector<1264x128xf32>
    %get3A_31 = arith.constant 0 : index
    %get3A_32 = arith.constant 0 : index
    %get3A_33 = vector.load %arg5[%get3A_31, %get3A_32] : memref<128x128xf32, #tpu.memory_space<vmem>>, vector<128x128xf32>
    %dot_general3A = arith.constant dense<0.000000e+00> : vector<1264x128xf32>
    %dot_general3A_34 = tpu.matmul %max3A_30, %get3A_33, %dot_general3A {dimension_numbers = #tpu.dot_dimension_numbers<[1], [0], [0], [1], [0, 0, 1, 1], [], []>, precision = #tpu.contract_precision<fp32>, transpose_lhs_hint = false} : vector<1264x128xf32>, vector<128x128xf32>, vector<1264x128xf32> -> vector<1264x128xf32>
    %mul3A_35 = vector.broadcast %rsqrt3A : vector<1264x1xf32> to vector<1264x128xf32>
    %mul3A_36 = arith.mulf %dot_general3A_34, %mul3A_35 : vector<1264x128xf32>
    %swap3A = arith.constant 0 : index
    %swap3A_37 = arith.constant 0 : index
    %swap3A_38 = vector.load %arg6[%swap3A, %swap3A_37] : memref<1264x128xf32, #tpu.memory_space<vmem>>, vector<1264x128xf32>
    tpu.vector_store %arg6[%swap3A, %swap3A_37], %mul3A_36 {strides = array<i32>} : memref<1264x128xf32, #tpu.memory_space<vmem>>, vector<1264x128xf32>,
    %mul3A_39 = vector.broadcast %rsqrt3A : vector<1264x1xf32> to vector<1264x128xf32>
    %mul3A_40 = arith.mulf %mul3A_36, %mul3A_39 : vector<1264x128xf32>
    %swap3A_41 = arith.constant 0 : index
    %swap3A_42 = arith.constant 0 : index
    %swap3A_43 = vector.load %arg7[%swap3A_41, %swap3A_42] : memref<1264x128xf32, #tpu.memory_space<vmem>>, vector<1264x128xf32>
    tpu.vector_store %arg7[%swap3A_41, %swap3A_42], %mul3A_40 {strides = array<i32>} : memref<1264x128xf32, #tpu.memory_space<vmem>>, vector<1264x128xf32>,
    return
  }
  func.func @transform_0(%arg0: i32) -> (i32, i32, i32) {
    %c0_i32 = arith.constant 0 : i32
    %c0_i32_0 = arith.constant 0 : i32
    %c0_i32_1 = arith.constant 0 : i32
    return %c0_i32, %arg0, %c0_i32_0 : i32, i32, i32
  }
  func.func @transform_1(%arg0: i32) -> (i32, i32, i32) {
    %c0_i32 = arith.constant 0 : i32
    %c0_i32_0 = arith.constant 0 : i32
    %c0_i32_1 = arith.constant 0 : i32
    return %c0_i32, %arg0, %c0_i32_0 : i32, i32, i32
  }
  func.func @transform_2(%arg0: i32) -> (i32, i32) {
    %c0_i32 = arith.constant 0 : i32
    %c0_i32_0 = arith.constant 0 : i32
    return %arg0, %c0_i32 : i32, i32
  }
  func.func @transform_3(%arg0: i32) -> (i32, i32) {
    %c0_i32 = arith.constant 0 : i32
    %c0_i32_0 = arith.constant 0 : i32
    %c0_i32_1 = arith.constant 0 : i32
    return %c0_i32, %c0_i32_0 : i32, i32
  }
  func.func @transform_4(%arg0: i32) -> (i32, i32) {
    %c0_i32 = arith.constant 0 : i32
    %c0_i32_0 = arith.constant 0 : i32
    %c0_i32_1 = arith.constant 0 : i32
    return %c0_i32, %c0_i32_0 : i32, i32
  }
  func.func @transform_5(%arg0: i32) -> (i32, i32) {
    %c0_i32 = arith.constant 0 : i32
    %c0_i32_0 = arith.constant 0 : i32
    return %arg0, %c0_i32 : i32, i32
  }
  func.func @transform_6(%arg0: i32) -> (i32, i32) {
    %c0_i32 = arith.constant 0 : i32
    %c0_i32_0 = arith.constant 0 : i32
    return %arg0, %c0_i32 : i32, i32
  }
}

module attributes {stable_mosaic.version = 14 : i64} {
  func.func @_t3_body(%arg0: i32, %arg1: memref<2x1264x128xf32, #tpu.memory_space<vmem>>, %arg2: memref<2x1264x128xf32, #tpu.memory_space<vmem>>, %arg3: memref<1264x128xf32, #tpu.memory_space<vmem>>, %arg4: memref<1x128xf32, #tpu.memory_space<vmem>>, %arg5: memref<128x128xf32, #tpu.memory_space<vmem>>, %arg6: memref<1x128xf32, #tpu.memory_space<vmem>>, %arg7: memref<128x128xf32, #tpu.memory_space<vmem>>, %arg8: memref<1x128xf32, #tpu.memory_space<vmem>>, %arg9: memref<1264x128xf32, #tpu.memory_space<vmem>>, %arg10: memref<1264x128xf32, #tpu.memory_space<vmem>>) attributes {dimension_semantics = [#tpu.dimension_semantics<arbitrary>], iteration_bounds = array<i64: 8>, scalar_prefetch = 0 : i64, scratch_operands = 0 : i64, tpu.core_type = #tpu.core_type<tc>, window_params = [{transform_indices = @transform_0, window_bounds = array<i64: 2, 1264, 128>}, {transform_indices = @transform_1, window_bounds = array<i64: 2, 1264, 128>}, {transform_indices = @transform_2, window_bounds = array<i64: 1264, 128>}, {pipeline_mode = #tpu.pipeline_mode<synchronous>, transform_indices = @transform_3, window_bounds = array<i64: 1, 128>}, {pipeline_mode = #tpu.pipeline_mode<synchronous>, transform_indices = @transform_4, window_bounds = array<i64: 128, 128>}, {pipeline_mode = #tpu.pipeline_mode<synchronous>, transform_indices = @transform_5, window_bounds = array<i64: 1, 128>}, {pipeline_mode = #tpu.pipeline_mode<synchronous>, transform_indices = @transform_6, window_bounds = array<i64: 128, 128>}, {pipeline_mode = #tpu.pipeline_mode<synchronous>, transform_indices = @transform_7, window_bounds = array<i64: 1, 128>}, {transform_indices = @transform_8, window_bounds = array<i64: 1264, 128>}, {transform_indices = @transform_9, window_bounds = array<i64: 1264, 128>}]} {
    %get3A = arith.constant 0 : index
    %get3A_0 = arith.constant 0 : index
    %get3A_1 = arith.constant 0 : index
    %get3A_2 = vector.load %arg2[%get3A, %get3A_0, %get3A_1] : memref<2x1264x128xf32, #tpu.memory_space<vmem>>, vector<2x1264x128xf32>
    %slice3A = vector.extract_strided_slice %get3A_2 {offsets = [0, 0, 0], sizes = [1, 1264, 1], strides = [1, 1, 1]} : vector<2x1264x128xf32> to vector<1x1264x1xf32>
    %squeeze3A = vector.shape_cast %slice3A : vector<1x1264x1xf32> to vector<1264x1xf32>
    %slice3A_3 = vector.extract_strided_slice %get3A_2 {offsets = [1, 0, 0], sizes = [1, 1264, 1], strides = [1, 1, 1]} : vector<2x1264x128xf32> to vector<1x1264x1xf32>
    %squeeze3A_4 = vector.shape_cast %slice3A_3 : vector<1x1264x1xf32> to vector<1264x1xf32>
    %add3A = arith.addf %squeeze3A, %squeeze3A_4 : vector<1264x1xf32>
    %add3A_5 = arith.constant 1.000000e+00 : f32
    %add3A_6 = vector.broadcast %add3A_5 : f32 to vector<1264x1xf32>
    %add3A_7 = arith.addf %add3A, %add3A_6 : vector<1264x1xf32>
    %rsqrt3A = math.rsqrt %add3A_7 : vector<1264x1xf32>
    %get3A_8 = arith.constant 0 : index
    %get3A_9 = arith.constant 0 : index
    %get3A_10 = arith.constant 0 : index
    %get3A_11 = vector.load %arg1[%get3A_8, %get3A_9, %get3A_10] : memref<2x1264x128xf32, #tpu.memory_space<vmem>>, vector<1x1264x128xf32>
    %get3A_12 = vector.shape_cast %get3A_11 : vector<1x1264x128xf32> to vector<1264x128xf32>
    %get3A_13 = arith.constant 1 : index
    %get3A_14 = arith.constant 0 : index
    %get3A_15 = arith.constant 0 : index
    %get3A_16 = vector.load %arg1[%get3A_13, %get3A_14, %get3A_15] : memref<2x1264x128xf32, #tpu.memory_space<vmem>>, vector<1x1264x128xf32>
    %get3A_17 = vector.shape_cast %get3A_16 : vector<1x1264x128xf32> to vector<1264x128xf32>
    %add3A_18 = arith.addf %get3A_12, %get3A_17 : vector<1264x128xf32>
    %mul3A = vector.broadcast %rsqrt3A : vector<1264x1xf32> to vector<1264x128xf32>
    %mul3A_19 = arith.mulf %mul3A, %add3A_18 : vector<1264x128xf32>
    %get3A_20 = arith.constant 0 : index
    %get3A_21 = arith.constant 0 : index
    %get3A_22 = vector.load %arg3[%get3A_20, %get3A_21] : memref<1264x128xf32, #tpu.memory_space<vmem>>, vector<1264x128xf32>
    %add3A_23 = arith.addf %mul3A_19, %get3A_22 : vector<1264x128xf32>
    %get3A_24 = arith.constant 0 : index
    %get3A_25 = arith.constant 0 : index
    %get3A_26 = vector.load %arg4[%get3A_24, %get3A_25] : memref<1x128xf32, #tpu.memory_space<vmem>>, vector<1x128xf32>
    %add3A_27 = vector.broadcast %get3A_26 : vector<1x128xf32> to vector<1264x128xf32>
    %add3A_28 = arith.addf %add3A_23, %add3A_27 : vector<1264x128xf32>
    %swap3A = arith.constant 0 : index
    %swap3A_29 = arith.constant 0 : index
    %swap3A_30 = vector.load %arg9[%swap3A, %swap3A_29] : memref<1264x128xf32, #tpu.memory_space<vmem>>, vector<1264x128xf32>
    tpu.vector_store %arg9[%swap3A, %swap3A_29], %add3A_28 {strides = array<i32>} : memref<1264x128xf32, #tpu.memory_space<vmem>>, vector<1264x128xf32>,
    %get3A_31 = arith.constant 0 : index
    %get3A_32 = arith.constant 0 : index
    %get3A_33 = vector.load %arg5[%get3A_31, %get3A_32] : memref<128x128xf32, #tpu.memory_space<vmem>>, vector<128x128xf32>
    %dot_general3A = arith.constant dense<0.000000e+00> : vector<1264x128xf32>
    %dot_general3A_34 = tpu.matmul %add3A_28, %get3A_33, %dot_general3A {dimension_numbers = #tpu.dot_dimension_numbers<[1], [0], [0], [1], [0, 0, 1, 1], [], []>, precision = #tpu.contract_precision<fp32>, transpose_lhs_hint = false} : vector<1264x128xf32>, vector<128x128xf32>, vector<1264x128xf32> -> vector<1264x128xf32>
    %get3A_35 = arith.constant 0 : index
    %get3A_36 = arith.constant 0 : index
    %get3A_37 = vector.load %arg6[%get3A_35, %get3A_36] : memref<1x128xf32, #tpu.memory_space<vmem>>, vector<1x128xf32>
    %add3A_38 = vector.broadcast %get3A_37 : vector<1x128xf32> to vector<1264x128xf32>
    %add3A_39 = arith.addf %dot_general3A_34, %add3A_38 : vector<1264x128xf32>
    %max3A = arith.constant 0.000000e+00 : f32
    %max3A_40 = vector.broadcast %max3A : f32 to vector<1264x128xf32>
    %max3A_41 = arith.maximumf %add3A_39, %max3A_40 : vector<1264x128xf32>
    %get3A_42 = arith.constant 0 : index
    %get3A_43 = arith.constant 0 : index
    %get3A_44 = vector.load %arg7[%get3A_42, %get3A_43] : memref<128x128xf32, #tpu.memory_space<vmem>>, vector<128x128xf32>
    %dot_general3A_45 = arith.constant dense<0.000000e+00> : vector<1264x128xf32>
    %dot_general3A_46 = tpu.matmul %max3A_41, %get3A_44, %dot_general3A_45 {dimension_numbers = #tpu.dot_dimension_numbers<[1], [0], [0], [1], [0, 0, 1, 1], [], []>, precision = #tpu.contract_precision<fp32>, transpose_lhs_hint = false} : vector<1264x128xf32>, vector<128x128xf32>, vector<1264x128xf32> -> vector<1264x128xf32>
    %get3A_47 = arith.constant 0 : index
    %get3A_48 = arith.constant 0 : index
    %get3A_49 = vector.load %arg8[%get3A_47, %get3A_48] : memref<1x128xf32, #tpu.memory_space<vmem>>, vector<1x128xf32>
    %add3A_50 = vector.broadcast %get3A_49 : vector<1x128xf32> to vector<1264x128xf32>
    %add3A_51 = arith.addf %dot_general3A_46, %add3A_50 : vector<1264x128xf32>
    %swap3A_52 = arith.constant 0 : index
    %swap3A_53 = arith.constant 0 : index
    %swap3A_54 = vector.load %arg10[%swap3A_52, %swap3A_53] : memref<1264x128xf32, #tpu.memory_space<vmem>>, vector<1264x128xf32>
    tpu.vector_store %arg10[%swap3A_52, %swap3A_53], %add3A_51 {strides = array<i32>} : memref<1264x128xf32, #tpu.memory_space<vmem>>, vector<1264x128xf32>,
    return
  }
  func.func @transform_0(%arg0: i32) -> (i32, i32, i32) {
    %c0_i32 = arith.constant 0 : i32
    %c0_i32_0 = arith.constant 0 : i32
    %c0_i32_1 = arith.constant 0 : i32
    return %c0_i32, %arg0, %c0_i32_0 : i32, i32, i32
  }
  func.func @transform_1(%arg0: i32) -> (i32, i32, i32) {
    %c0_i32 = arith.constant 0 : i32
    %c0_i32_0 = arith.constant 0 : i32
    %c0_i32_1 = arith.constant 0 : i32
    return %c0_i32, %arg0, %c0_i32_0 : i32, i32, i32
  }
  func.func @transform_2(%arg0: i32) -> (i32, i32) {
    %c0_i32 = arith.constant 0 : i32
    %c0_i32_0 = arith.constant 0 : i32
    return %arg0, %c0_i32 : i32, i32
  }
  func.func @transform_3(%arg0: i32) -> (i32, i32) {
    %c0_i32 = arith.constant 0 : i32
    %c0_i32_0 = arith.constant 0 : i32
    %c0_i32_1 = arith.constant 0 : i32
    return %c0_i32, %c0_i32_0 : i32, i32
  }
  func.func @transform_4(%arg0: i32) -> (i32, i32) {
    %c0_i32 = arith.constant 0 : i32
    %c0_i32_0 = arith.constant 0 : i32
    %c0_i32_1 = arith.constant 0 : i32
    return %c0_i32, %c0_i32_0 : i32, i32
  }
  func.func @transform_5(%arg0: i32) -> (i32, i32) {
    %c0_i32 = arith.constant 0 : i32
    %c0_i32_0 = arith.constant 0 : i32
    %c0_i32_1 = arith.constant 0 : i32
    return %c0_i32, %c0_i32_0 : i32, i32
  }
  func.func @transform_6(%arg0: i32) -> (i32, i32) {
    %c0_i32 = arith.constant 0 : i32
    %c0_i32_0 = arith.constant 0 : i32
    %c0_i32_1 = arith.constant 0 : i32
    return %c0_i32, %c0_i32_0 : i32, i32
  }
  func.func @transform_7(%arg0: i32) -> (i32, i32) {
    %c0_i32 = arith.constant 0 : i32
    %c0_i32_0 = arith.constant 0 : i32
    %c0_i32_1 = arith.constant 0 : i32
    return %c0_i32, %c0_i32_0 : i32, i32
  }
  func.func @transform_8(%arg0: i32) -> (i32, i32) {
    %c0_i32 = arith.constant 0 : i32
    %c0_i32_0 = arith.constant 0 : i32
    return %arg0, %c0_i32 : i32, i32
  }
  func.func @transform_9(%arg0: i32) -> (i32, i32) {
    %c0_i32 = arith.constant 0 : i32
    %c0_i32_0 = arith.constant 0 : i32
    return %arg0, %c0_i32 : i32, i32
  }
}

</mosaic_0001>

<sc_bundles>
// kernel: kernel.11.cloned.1.call-start
scs
__scs_entry_jumppad:
0x0: {  	(pc) =	sbr.rel $0x88, $3  }
0x1: {  	(tag) =	ssettag $0x0;
	lr =	simm.s32 $0x1  }
0x2: {  	[smem:$0x3F97] =	sst lr;
	_ =	strace $0xD0000000  }
0x3: {  	_ = 	snop  }
0x4: {  	_ = 	snop  }
0x5: {  	_ = 	snop  }
0x6: {  	_ = 	snop  }
0x7: {  	_ = 	snop  }
__scs_overlays_trampoline_lowered:
0x8: {  	[smem:$0x3FA6] =	sst s0  }
0x9: {  	[smem:$0x3FA7] =	sst s1  }
0xa: {  	[smem:$0x3FA8] =	sst s2  }
0xb: {  	[smem:$0x3FA9] =	sst s3  }
0xc: {  	[smem:$0x3FAA] =	sst s4  }
0xd: {  	[smem:$0x3FAB] =	sst s5  }
0xe: {  	[smem:$0x3FAC] =	sst s6  }
0xf: {  	[smem:$0x3FAD] =	sst s7  }
0x10: {  	[smem:$0x3FAE] =	sst s8  }
0x11: {  	[smem:$0x3FAF] =	sst s9;
	s0 =	simm.s32 @!p0 $0x0  }
0x12: {  	s1 =	sld [smem:$0x3F95];
	s0 =	simm.s32 @p0 $0x1  }
0x13: {  	[smem:$0x3FB0] =	sst s0;
	s0 =	simm.s32 @!p1 $0x0  }
0x14: {  	s2 =	sld [smem:$0x3F94];
	s0 =	simm.s32 @p1 $0x1  }
0x15: {  	[smem:$0x3FB1] =	sst s0;
	s0 =	simm.s32 @!p2 $0x0  }
0x16: {  	s3 =	sld [smem:$0x3FDB];
	s0 =	simm.s32 @p2 $0x1  }
0x17: {  	s4 =	simm.s32 $0x1BF5;
	[smem:$0x3FB3] =	sst s0  }
0x18: {  	s0 =	sld [smem:$0x3F96];
	_ =	swait.ge [sflag:s4], $0x0  }
0x19: {  	s7 =	sld [smem:$0x3F97]  }
0x1a: {  	s8 =	sadd.s32 $0xFFFFE003, lr  }
0x1b: {  	s9 =	sadd.s32 $0xFFFFFEF7, lr;
	s5 =	simm.s32 $0xFFFFFFFF;
	p2 =	slt.u32 s8, $0xFFFFF086  }
0x1c: {  	p1 =	slt.u32 s9, $0xF7A;
	s5 =	simm.s32 @!p2 $0x0  }
0x1d: {  	s5 =	simm.s32 @p1 $0x1;
	p0 =	seq.s32 s7, s2  }
0x1e: {  	s7 =	smul.u32 @!p0 $0xF7A, s2;
	p2 =	seq.s32 @!p0 s5, $0x0  }
0x1f: {  	s9 =	smul.u32 $0xF7A, s1;
	s8 =	simm.s32 @!p0 $0x1BF5;
	p2 =	por !p2, p0  }
0x20: {  	[sflag:s8] =	ssyncset.s32 @!p0 $0xFFFFF086;
	s6 =	sadd.s32 @!p0 s3, s7;
	s7 =	simm.s32 @!p0 $0x108  }
0x21: {  	s3 =	sadd.s32 s3, s9;
	s6 =	sadd.s32 @!p0 $0x88, s6;
	s7 =	simm.s32 @p2 $0x1082  }
0x22: {  	[simem:s7], [sflag:s8] =	dma.local @!p0 [hbm:s6], $0xF7A  }
0x23: {  	s9 =	sor.u32 $0xD0000000, s2;
	s6 =	simm.s32 $0x108;
	_ =	swait.ge @!p0 [sflag:s8], $0x0  }
0x24: {  	s3 =	sadd.s32 $0x88, s3;
	s6 =	simm.s32 @!p1 $0x1082;
	[sflag:s4] =	ssyncset.s32 $0xFFFFF086  }
0x25: {  	[simem:s6], [sflag:s4] =	dma.local [hbm:s3], $0xF7A  }
0x26: {  	[smem:$0x3F97] =	sst s1;
	(tag) =	ssettag s2;
	_ =	strace s9  }
0x27: {  	s1 =	sld [smem:$0x3FA7]  }
0x28: {  	s2 =	sld [smem:$0x3FA8]  }
0x29: {  	s4 =	sld [smem:$0x3FAA]  }
0x2a: {  	p0 =	seq.s32 s5, $0x0;
	s5 =	sld [smem:$0x3FAB]  }
0x2b: {  	s6 =	sld [smem:$0x3FAC]  }
0x2c: {  	s7 =	sld [smem:$0x3FAD]  }
0x2d: {  	s3 =	simm.s32 $0x108;
	s8 =	sld [smem:$0x3FAE]  }
0x2e: {  	s3 =	simm.s32 @!p0 $0x1082;
	s9 =	sld [smem:$0x3FAF]  }
0x2f: {  	lr =	sadd.s32 s0, s3;
	s0 =	sld [smem:$0x3FA6]  }
0x30: {  	s3 =	sld [smem:$0x3FA9]  }
0x31: {  	[smem:$0x3FB2] =	sst s10  }
0x32: {  	s10 =	sld [smem:$0x3FB0];
	_ =	sdelay $0x3  }
0x33: {  	p0 =	seq.s32 s10, $0x1;
	s10 =	sld [smem:$0x3FB2];
	_ =	sdelay $0x3  }
0x34: {  	[smem:$0x3FB2] =	sst s10  }
0x35: {  	s10 =	sld [smem:$0x3FB1];
	_ =	sdelay $0x3  }
0x36: {  	p1 =	seq.s32 s10, $0x1;
	s10 =	sld [smem:$0x3FB2];
	_ =	sdelay $0x3  }
0x37: {  	[smem:$0x3FB2] =	sst s10  }
0x38: {  	s10 =	sld [smem:$0x3FB3]  }
0x39: {  	_ = 	snop;
	(pc) =	sbr.ind lr, $3  }
0x3a: {  	_ = 	snop  }
0x3b: {  	_ = 	snop  }
0x3c: {  	p2 =	seq.s32 s10, $0x1;
	s10 =	sld [smem:$0x3FB2]  }
0x3d: {  	_ =	shalt  }
0x3e: {  	_ =	shalt  }
0x3f: {  	_ =	shalt  }
0x40: {  	_ =	shalt  }
0x41: {  	_ =	shalt  }
0x42: {  	_ =	shalt  }
0x43: {  	_ =	shalt  }
0x44: {  	_ =	shalt  }
0x45: {  	_ =	shalt  }
0x46: {  	_ =	shalt  }
0x47: {  	_ =	shalt  }
0x48: {  	_ =	shalt  }
0x49: {  	_ =	shalt  }
0x4a: {  	_ =	shalt  }
0x4b: {  	_ =	shalt  }
0x4c: {  	_ =	shalt  }
0x4d: {  	_ =	shalt  }
0x4e: {  	_ =	shalt  }
0x4f: {  	_ =	shalt  }
0x50: {  	_ =	shalt  }
0x51: {  	_ =	shalt  }
0x52: {  	_ =	shalt  }
0x53: {  	_ =	shalt  }
0x54: {  	_ =	shalt  }
0x55: {  	_ =	shalt  }
0x56: {  	_ =	shalt  }
0x57: {  	_ =	shalt  }
0x58: {  	_ =	shalt  }
0x59: {  	_ =	shalt  }
0x5a: {  	_ =	shalt  }
0x5b: {  	_ =	shalt  }
0x5c: {  	_ =	shalt  }
0x5d: {  	_ =	shalt  }
0x5e: {  	_ =	shalt  }
0x5f: {  	_ =	shalt  }
0x60: {  	_ =	shalt  }
0x61: {  	_ =	shalt  }
0x62: {  	_ =	shalt  }
0x63: {  	_ =	shalt  }
0x64: {  	_ =	shalt  }
0x65: {  	_ =	shalt  }
0x66: {  	_ =	shalt  }
0x67: {  	_ =	shalt  }
0x68: {  	_ =	shalt  }
0x69: {  	_ =	shalt  }
0x6a: {  	_ =	shalt  }
0x6b: {  	_ =	shalt  }
0x6c: {  	_ =	shalt  }
0x6d: {  	_ =	shalt  }
0x6e: {  	_ =	shalt  }
0x6f: {  	_ =	shalt  }
0x70: {  	_ =	shalt  }
0x71: {  	_ =	shalt  }
0x72: {  	_ =	shalt  }
0x73: {  	_ =	shalt  }
0x74: {  	_ =	shalt  }
0x75: {  	_ =	shalt  }
0x76: {  	_ =	shalt  }
0x77: {  	_ =	shalt  }
0x78: {  	_ =	shalt  }
0x79: {  	_ =	shalt  }
0x7a: {  	_ =	shalt  }
0x7b: {  	_ =	shalt  }
0x7c: {  	_ =	shalt  }
0x7d: {  	_ =	shalt  }
0x7e: {  	_ =	shalt  }
0x7f: {  	_ =	shalt  }
0x80: {  	_ =	shalt  }
0x81: {  	_ =	shalt  }
0x82: {  	_ =	shalt  }
0x83: {  	_ =	shalt  }
0x84: {  	_ =	shalt  }
0x85: {  	_ =	shalt  }
0x86: {  	_ =	shalt  }
0x87: {  	_ =	shalt  }
.Lfunc_end0:
.L_simem_size_0:
called_computation.1_lowered:
.L_overlay_start_0:
0x88: {  	s2 =	sld [smem:$0x3FD9]  }
0x89: {  	s3 =	sld [smem:$0x3FFE];
	_ =	sdelay $0x1  }
0x8a: {  	s1 =	srdreg.scid  }
0x8b: {  	s0 =	sand.u32 $0x1, s1  }
0x8c: {  	s14 =	sshll.u32 s0, $0xA;
	s2 =	sadd.s32 s3, s2  }
0x8d: {  	s2 =	sadd.s32 s2, s14  }
0x8e: {  	[smem:$0x3FBE] =	sst s2  }
0x8f: {  	_ = 	snop  }
0x90: {  	s2 =	sld [smem:$0x3FD0];
	_ =	sdelay $0x2  }
0x91: {  	s15 =	simm.s32 $0xA;
	s4 =	simm.s32 $0x10  }
0x92: {  	[smem:s4], [sflag:s15] =	dma.local [hbm:s2], $0x1  }
0x93: {  	_ =	swait.eq [sflag:s15], $0x1  }
0x94: {  	[sflag:s15] =	ssyncset.done $0x0  }
0x95: {  	[sflag:s15] =	ssyncadd.s32 $0xFFFFFFFF  }
0x96: {  	s16 =	sld [smem:$0x11];
	(tm) =	ssettm $0x1  }
0x97: {  	s17 =	sld [smem:$0x3FFB];
	_ =	sdelay $0x3  }
0x98: {  	_ =	strace s17  }
0x99: {  	s3 =	sld [smem:$0x3FFC];
	_ =	sdelay $0x3  }
0x9a: {  	_ =	strace s3  }
0x9b: {  	s3 =	sld [smem:$0x3FFD];
	_ =	sdelay $0x3  }
0x9c: {  	_ =	strace s3  }
0x9d: {  	_ =	strace $0x8FFFFFFF  }
0x9e: {  	s18 =	sld [smem:$0x3FDB];
	_ =	sdelay $0x1  }
0x9f: {  	s19 =	simm.s32 $_scs_section_size  }
0xa0: {  	s5 =	simm.s32 $_size__tile_overlayer_lowered;
	s6 =	simm.s32 $_tile_overlayer_lowered  }
0xa1: {  	s22 =	simm.s32 $0x1BFF;
	s21 =	sshll.u32 s6, $0x1;
	s3 =	sadd.s32 s19, s18  }
0xa2: {  	s7 =	simm.s32 $0x0;
	s20 =	sshll.u32 s5, $0x1;
	s5 =	sadd.s32 s21, s3  }
0xa3: {  	[timem:s7], [sflag:s22] =	dma.local [hbm:s5], s20  }
0xa4: {  	_ =	swait.ge [sflag:s22], s20  }
0xa5: {  	s4 =	ssub.s32 $0x0, s20;
	[sflag:s22] =	ssyncset.done $0x0  }
0xa6: {  	[sflag:s22] =	ssyncadd.s32 s4;
	_ =	sdelay $0x1  }
0xa7: {  	s23 =	simm.s32 $0x1B8B  }
0xa8: {  	_ =	swait.ge [sflag:s23], $0x1  }
0xa9: {  	[sflag:s23] =	ssyncset.done $0x0  }
0xaa: {  	s25 =	simm.s32 $0x1B8E;
	s24 =	sld [smem:$0x3FFE];
	[sflag:s23] =	ssyncadd.s32 $0xFFFFFFFF  }
0xab: {  	s26 =	simm.s32 $execute0_lowered;
	[smem:$0x3FD2] =	sst s25  }
0xac: {  	s5 =	sshll.u32 s26, $0x1;
	_ =	strace $0x80000049;
	[dreg:$0x1] =	wrdreg $0xFFFFFFFF  }
0xad: {  	s28 =	simm.s32 $_size_execute0_lowered;
	s3 =	sadd.s32 s3, s5;
	[dreg:$0x0] =	wrdreg $0x0  }
0xae: {  	s5 =	sshll.u32 s28, $0x1;
	[dreg:$0x2] =	wrdreg s3  }
0xaf: {  	[dreg:$0x3] =	wrdreg s5  }
0xb0: {  	[dreg:$0x4] =	wrdreg $0xC0  }
0xb1: {  	_ =	task [dreg:s7], $0x5FFFF  }
0xb2: {  	[dreg:$0x1] =	wrdreg $0xFFFFFFFF  }
0xb3: {  	[dreg:$0x0] =	wrdreg $0x60  }
0xb4: {  	[dreg:$0x2] =	wrdreg s24  }
0xb5: {  	[dreg:$0x3] =	wrdreg s16  }
0xb6: {  	[dreg:$0x4] =	wrdreg $0x90000  }
0xb7: {  	[dreg:$0x5] =	wrdreg $0x9  }
0xb8: {  	_ =	task.clear_ibuf [dreg:s7], $0x6FFFF;
	_ =	strace $0x90000049  }
0xb9: {  	s29 =	simm.s32 $0x9;
	_ =	strace $0x8000004B  }
0xba: {  	_ =	swait.ge [sflag:s29], $0x1  }
0xbb: {  	[sflag:s29] =	ssyncadd.s32 $0xFFFFFFFF  }
0xbc: {  	_ =	strace $0x9000004B  }
0xbd: {  	_ =	sfence  }
0xbe: {  	s30 =	sld [smem:$0x0];
	_ =	sdelay $0x2  }
0xbf: {  	s31 =	sshll.u32 s1, $0xD;
	s1 =	sshrl.u32 s1, $0x2  }
0xc0: {  	s3 =	sand.u32 $0x4000, s31;
	s1 =	sadd.s32 s1, s30  }
0xc1: {  	s0 =	sor.u32 s3, s0;
	s1 =	sshll.u32 s1, $0x11  }
0xc2: {  	s0 =	sor.u32 s1, s0  }
0xc3: {  	s0 =	sadd.s32 $0x8F2B, s0  }
0xc4: {  	[sflag:s0] =	ssyncadd.remote.s32 $0x1  }
0xc5: {  	_ =	sfence.sel $0xFFFF  }
0xc6: {  	[dreg:$0x0] =	wrdreg $0xFFFFFFFF;
	(pc) =	sbr.abs _section_cstart, $3  }
0xc7: {  	[dreg:$0x1] =	wrdreg $0xFFFFFFFF  }
0xc8: {  	_ =	task.clear_ibuf [dreg:s7], $0x2FFFF;
	_ =	strace $0x9FFFFFFF  }
0xc9: {  	(tm) =	ssettm $0x7FFFFFFF  }
tec
execute0_lowered:
.L_overlay_start_1:
0x0: {  	(tag) =	ssettag $0x1  }
0x1: {  	s1 =	srdreg.scid;
	s6 =	rddreg [dreg:$0x0]  }
0x2: {  	s0 =	stileid.u32;
	s8 =	rddreg [dreg:$0x1]  }
0x3: {  	s2 =	rddreg [dreg:$0x2];
	s3 =	simm.s32 $0x0;
	s14 =	simm.s32 $0x80  }
0x4: {  	s15 =	simm.s32 $0x5000;
	s16 =	simm.s32 $0x1;
	s17 =	simm.s32 $0x0  }
0x5: {  	s7 =	sand.u32 $0x1, s1;
	s29 =	sshll.u32 s0, $0x1;
	s10 =	smul.u32 $0x13C00, s0  }
0x6: {  	[smem:$0x7FF] =	sst s3;
	s4 =	sadd.s32 $0x5D400, s6;
	s12 =	smul.u32 $0x4F000, s0  }
0x7: {  	s31 =	sshll.u32 s0, $0x6;
	s1 =	sor.u32 s7, s29;
	s5 =	smul.u32 $0x13C000, s7  }
0x8: {  	s7 =	ssub.s32 $0x2, s7;
	s9 =	smul.u32 $0x500, s1;
	s1 =	rddreg [dreg:$0x3]  }
0x9: {  	_ =	strace $0x8000004A;
	s30 =	sshrl.u32 s7, $0x1;
	s12 =	sshrl.u32 s12, $0x2  }
0xa: {  	s10 =	sadd.s32 s10, s5;
	s5 =	sadd.s32 $0xBC00, s6;
	s13 =	ssub.s32 s7, s30  }
0xb: {  	s12 =	sadd.s32 s12, s2;
	s11 =	sadd.s32 s9, s6;
	s10 =	sshrl.u32 s10, $0x3  }
0xc: {  	s7 =	sadd.s32 s8, s9;
	s10 =	sadd.s32 s10, s6;
	s6 =	sor.u32 $0x1C02, s31  }
0xd: {  	s8 =	sadd.s32 $0x1C00, s11;
	s11 =	sshrl.u32 s12, $0x3;
	s12 =	simm.s32 $0x2  }
0xe: {  	s9 =	sadd.s32 $0x84C00, s10;
	s10 =	smax.u32 s13, $0x1;
	s13 =	simm.s32 $0x2800  }
.LBB2_1:
0xf: {  	[spmem:s11], [sflag:s6] =	dma.local [hbm:s5], $0x2780  }
0x10: {  	_ =	swait.ge [sflag:s12], $0x2780  }
0x11: {  	[sflag:s12] =	ssyncset.done $0x0  }
0x12: {  	[sflag:s12] =	ssyncadd.s32 $0xFFFFD880  }
0x13: {  	[tilespmem:s3], [sflag:$0x2] =	stream.linear.gather [hbm4b:s7+s3], $0x2780, $0x38;
	[tilespmem:$0x1CC00] =	vst v63  }
0x14: {  	_ =	swait.ge [sflag:s12], $0x2780  }
0x15: {  	[sflag:s12] =	ssyncset.done $0x0  }
0x16: {  	[sflag:s12] =	ssyncadd.s32 $0xFFFFD880  }
0x17: {  	[tilespmem:s13], [sflag:$0x2] =	stream.linear.gather [hbm4b:s8+s3], $0x2780, $0x38;
	[tilespmem:$0x1CC00] =	vst v63  }
0x18: {  	_ =	swait.ge [sflag:s12], $0x2780  }
0x19: {  	[sflag:s12] =	ssyncset.done $0x0  }
0x1a: {  	[sflag:s12] =	ssyncadd.s32 $0xFFFFD880  }
0x1b: {  	s18 =	simm.s32 $0x0;
	[bflag:$0x0] =	sbarrier.arrive $0xFFFF  }
0x1c: {  	[tilespmem:s15], [sflag:$0x1] =	stream.indirect.gather [hbm4b:s4+s14], $0x80, s18, s14, $0xb8;
	[tilespmem:$0x1CC00] =	vst v63  }
0x1d: {  	_ =	swait.ge [sflag:s16], $0x4000  }
0x1e: {  	[sflag:s16] =	ssyncset.done $0x0  }
0x1f: {  	s31 =	simm.s32 $0x2800;
	[sflag:s16] =	ssyncadd.s32 $0xFFFFC000  }
0x20: {  	[spmem:s2] =	stream.indirect.scatter.add.f32 [tilespmem:s15], [sflag:$0x2], $0x80, s31, s14, $0xb8;
	[tilespmem:$0x1CC00] =	vst v63  }
0x21: {  	_ =	swait.ge [sflag:s12], $0x4000  }
0x22: {  	s19 =	simm.s32 $0x400;
	s18 =	simm.s32 $0x200;
	[sflag:s12] =	ssyncset.done $0x0  }
.LBB2_2:
0x23: {  	s20 =	sshra.s32 s18, $0x2  }
0x24: {  	[sflag:s12] =	ssyncadd.s32 $0xFFFFC000;
	s18 =	smov.u32 s19;
	s21 =	sadd.s32 $0x200, s19  }
0x25: {  	[tilespmem:s15], [sflag:$0x1] =	stream.indirect.gather [hbm4b:s4+s14], $0x80, s20, s14, $0xb8;
	[tilespmem:$0x1CC00] =	vst v63  }
0x26: {  	p0 =	sne.s32 s19, $0x9C00;
	_ =	swait.ge [sflag:s16], $0x4000  }
.Ltmp0:
0x27: {  	[sflag:s16] =	ssyncset.done $0x0;
	(pc) =	sbr.rel @p0 .LBB2_2-.Ltmp0, $4  }
0x28: {  	s19 =	sadd.s32 $0x2800, s20;
	[sflag:s16] =	ssyncadd.s32 $0xFFFFC000  }
0x29: {  	[spmem:s2] =	stream.indirect.scatter.add.f32 [tilespmem:s15], [sflag:$0x2], $0x80, s19, s14, $0xb8;
	[tilespmem:$0x1CC00] =	vst v63  }
0x2a: {  	_ =	swait.ge [sflag:s12], $0x4000  }
0x2b: {  	s19 =	smov.u32 s21;
	[sflag:s12] =	ssyncset.done $0x0  }
0x2c: {  	s18 =	sshra.s32 s18, $0x2;
	[sflag:s12] =	ssyncadd.s32 $0xFFFFC000  }
0x2d: {  	[tilespmem:s15], [sflag:$0x1] =	stream.indirect.gather [hbm4b:s4+s14], $0x80, s18, s14, $0xb8;
	[tilespmem:$0x1CC00] =	vst v63  }
0x2e: {  	_ =	swait.ge [sflag:s16], $0x4000  }
0x2f: {  	[sflag:s16] =	ssyncset.done $0x0  }
0x30: {  	s18 =	sadd.s32 $0x2800, s18;
	[sflag:s16] =	ssyncadd.s32 $0xFFFFC000  }
0x31: {  	[spmem:s2] =	stream.indirect.scatter.add.f32 [tilespmem:s15], [sflag:$0x2], $0x80, s18, s14, $0xb8;
	[tilespmem:$0x1CC00] =	vst v63  }
0x32: {  	_ =	swait.ge [sflag:s12], $0x4000  }
0x33: {  	s17 =	sadd.s32 $0x1, s17;
	[sflag:s12] =	ssyncset.done $0x0  }
0x34: {  	p0 =	sne.s32 s17, s10;
	[sflag:s12] =	ssyncadd.s32 $0xFFFFC000  }
.Ltmp1:
0x35: {  	[bflag:$0x0] =	sbarrier.arrive $0xFFFF;
	(pc) =	sbr.rel @p0 .LBB2_1-.Ltmp1, $4  }
0x36: {  	[hbm:s9], [sflag:s6] =	dma.local [spmem:s11], $0x2780  }
0x37: {  	_ =	swait.ge [sflag:s12], $0x2780  }
0x38: {  	[sflag:s12] =	ssyncset.done $0x0  }
0x39: {  	[sflag:s12] =	ssyncadd.s32 $0xFFFFD880  }
0x3a: {  	_ =	sfence.sel $0x180000  }
0x3b: {  	[bflag:$0x0] =	sbarrier.arrive $0xFFFF  }
0x3c: {  	p0 =	sne.s32 s0, $0x0;
	_ =	strace $0x9000004A  }
0x3d: {  	s0 =	sadd.s32 @!p0 $0x100000, s1;
	[bflag:$0x2] =	sbarrier.arrive $0xFFFF  }
0x3e: {  	[sflag:s0] =	ssyncadd.tile.s32 @!p0 $0x1;
	_ =	shalt  }
.Lfunc_end2:
_tile_overlayer_lowered:
.L_overlay_start_2:
0x3f: {  	(tag) =	ssettag $0x2  }
0x40: {  	s0 =	rddreg [dreg:$0x0];
	s2 =	stileid.u32  }
0x41: {  	s1 =	rddreg [dreg:$0x1];
	p0 =	sne.s32 s2, $0x0  }
0x42: {  	s3 =	rddreg [dreg:$0x2];
	[bflag:$0x3] =	sbarrier.arrive $0xFFFF;
	s2 =	simm.s32 @!p0 $0x1C02  }
0x43: {  	[timem:s3], [sflag:s2] =	dma.local @!p0 [hbm:s0], s1  }
0x44: {  	s0 =	simm.s32 @!p0 $0x2  }
0x45: {  	_ =	swait.ge @!p0 [sflag:s0], s1  }
0x46: {  	s1 =	ssub.s32 @!p0 $0x0, s1;
	[sflag:s0] =	ssyncset.done @!p0 $0x0  }
0x47: {  	[sflag:s0] =	ssyncadd.s32 @!p0 s1  }
0x48: {  	[bflag:$0x3] =	sbarrier.arrive $0xFFFF  }
0x49: {  	_ =	shalt  }

// kernel: kernel.14.cloned.1.call-start
scs
__scs_entry_jumppad:
0x0: {  	(pc) =	sbr.rel $0x88, $3  }
0x1: {  	(tag) =	ssettag $0x0;
	lr =	simm.s32 $0x1  }
0x2: {  	[smem:$0x3F97] =	sst lr;
	_ =	strace $0xD0000000  }
0x3: {  	_ = 	snop  }
0x4: {  	_ = 	snop  }
0x5: {  	_ = 	snop  }
0x6: {  	_ = 	snop  }
0x7: {  	_ = 	snop  }
__scs_overlays_trampoline_lowered:
0x8: {  	[smem:$0x3FA6] =	sst s0  }
0x9: {  	[smem:$0x3FA7] =	sst s1  }
0xa: {  	[smem:$0x3FA8] =	sst s2  }
0xb: {  	[smem:$0x3FA9] =	sst s3  }
0xc: {  	[smem:$0x3FAA] =	sst s4  }
0xd: {  	[smem:$0x3FAB] =	sst s5  }
0xe: {  	[smem:$0x3FAC] =	sst s6  }
0xf: {  	[smem:$0x3FAD] =	sst s7  }
0x10: {  	[smem:$0x3FAE] =	sst s8  }
0x11: {  	[smem:$0x3FAF] =	sst s9;
	s0 =	simm.s32 @!p0 $0x0  }
0x12: {  	s1 =	sld [smem:$0x3F95];
	s0 =	simm.s32 @p0 $0x1  }
0x13: {  	[smem:$0x3FB0] =	sst s0;
	s0 =	simm.s32 @!p1 $0x0  }
0x14: {  	s2 =	sld [smem:$0x3F94];
	s0 =	simm.s32 @p1 $0x1  }
0x15: {  	[smem:$0x3FB1] =	sst s0;
	s0 =	simm.s32 @!p2 $0x0  }
0x16: {  	s3 =	sld [smem:$0x3FDB];
	s0 =	simm.s32 @p2 $0x1  }
0x17: {  	s4 =	simm.s32 $0x1BF5;
	[smem:$0x3FB3] =	sst s0  }
0x18: {  	s0 =	sld [smem:$0x3F96];
	_ =	swait.ge [sflag:s4], $0x0  }
0x19: {  	s7 =	sld [smem:$0x3F97]  }
0x1a: {  	s8 =	sadd.s32 $0xFFFFE003, lr  }
0x1b: {  	s9 =	sadd.s32 $0xFFFFFEF7, lr;
	s5 =	simm.s32 $0xFFFFFFFF;
	p2 =	slt.u32 s8, $0xFFFFF086  }
0x1c: {  	p1 =	slt.u32 s9, $0xF7A;
	s5 =	simm.s32 @!p2 $0x0  }
0x1d: {  	s5 =	simm.s32 @p1 $0x1;
	p0 =	seq.s32 s7, s2  }
0x1e: {  	s7 =	smul.u32 @!p0 $0xF7A, s2;
	p2 =	seq.s32 @!p0 s5, $0x0  }
0x1f: {  	s9 =	smul.u32 $0xF7A, s1;
	s8 =	simm.s32 @!p0 $0x1BF5;
	p2 =	por !p2, p0  }
0x20: {  	[sflag:s8] =	ssyncset.s32 @!p0 $0xFFFFF086;
	s6 =	sadd.s32 @!p0 s3, s7;
	s7 =	simm.s32 @!p0 $0x108  }
0x21: {  	s3 =	sadd.s32 s3, s9;
	s6 =	sadd.s32 @!p0 $0x88, s6;
	s7 =	simm.s32 @p2 $0x1082  }
0x22: {  	[simem:s7], [sflag:s8] =	dma.local @!p0 [hbm:s6], $0xF7A  }
0x23: {  	s9 =	sor.u32 $0xD0000000, s2;
	s6 =	simm.s32 $0x108;
	_ =	swait.ge @!p0 [sflag:s8], $0x0  }
0x24: {  	s3 =	sadd.s32 $0x88, s3;
	s6 =	simm.s32 @!p1 $0x1082;
	[sflag:s4] =	ssyncset.s32 $0xFFFFF086  }
0x25: {  	[simem:s6], [sflag:s4] =	dma.local [hbm:s3], $0xF7A  }
0x26: {  	[smem:$0x3F97] =	sst s1;
	(tag) =	ssettag s2;
	_ =	strace s9  }
0x27: {  	s1 =	sld [smem:$0x3FA7]  }
0x28: {  	s2 =	sld [smem:$0x3FA8]  }
0x29: {  	s4 =	sld [smem:$0x3FAA]  }
0x2a: {  	p0 =	seq.s32 s5, $0x0;
	s5 =	sld [smem:$0x3FAB]  }
0x2b: {  	s6 =	sld [smem:$0x3FAC]  }
0x2c: {  	s7 =	sld [smem:$0x3FAD]  }
0x2d: {  	s3 =	simm.s32 $0x108;
	s8 =	sld [smem:$0x3FAE]  }
0x2e: {  	s3 =	simm.s32 @!p0 $0x1082;
	s9 =	sld [smem:$0x3FAF]  }
0x2f: {  	lr =	sadd.s32 s0, s3;
	s0 =	sld [smem:$0x3FA6]  }
0x30: {  	s3 =	sld [smem:$0x3FA9]  }
0x31: {  	[smem:$0x3FB2] =	sst s10  }
0x32: {  	s10 =	sld [smem:$0x3FB0];
	_ =	sdelay $0x3  }
0x33: {  	p0 =	seq.s32 s10, $0x1;
	s10 =	sld [smem:$0x3FB2];
	_ =	sdelay $0x3  }
0x34: {  	[smem:$0x3FB2] =	sst s10  }
0x35: {  	s10 =	sld [smem:$0x3FB1];
	_ =	sdelay $0x3  }
0x36: {  	p1 =	seq.s32 s10, $0x1;
	s10 =	sld [smem:$0x3FB2];
	_ =	sdelay $0x3  }
0x37: {  	[smem:$0x3FB2] =	sst s10  }
0x38: {  	s10 =	sld [smem:$0x3FB3]  }
0x39: {  	_ = 	snop;
	(pc) =	sbr.ind lr, $3  }
0x3a: {  	_ = 	snop  }
0x3b: {  	_ = 	snop  }
0x3c: {  	p2 =	seq.s32 s10, $0x1;
	s10 =	sld [smem:$0x3FB2]  }
0x3d: {  	_ =	shalt  }
0x3e: {  	_ =	shalt  }
0x3f: {  	_ =	shalt  }
0x40: {  	_ =	shalt  }
0x41: {  	_ =	shalt  }
0x42: {  	_ =	shalt  }
0x43: {  	_ =	shalt  }
0x44: {  	_ =	shalt  }
0x45: {  	_ =	shalt  }
0x46: {  	_ =	shalt  }
0x47: {  	_ =	shalt  }
0x48: {  	_ =	shalt  }
0x49: {  	_ =	shalt  }
0x4a: {  	_ =	shalt  }
0x4b: {  	_ =	shalt  }
0x4c: {  	_ =	shalt  }
0x4d: {  	_ =	shalt  }
0x4e: {  	_ =	shalt  }
0x4f: {  	_ =	shalt  }
0x50: {  	_ =	shalt  }
0x51: {  	_ =	shalt  }
0x52: {  	_ =	shalt  }
0x53: {  	_ =	shalt  }
0x54: {  	_ =	shalt  }
0x55: {  	_ =	shalt  }
0x56: {  	_ =	shalt  }
0x57: {  	_ =	shalt  }
0x58: {  	_ =	shalt  }
0x59: {  	_ =	shalt  }
0x5a: {  	_ =	shalt  }
0x5b: {  	_ =	shalt  }
0x5c: {  	_ =	shalt  }
0x5d: {  	_ =	shalt  }
0x5e: {  	_ =	shalt  }
0x5f: {  	_ =	shalt  }
0x60: {  	_ =	shalt  }
0x61: {  	_ =	shalt  }
0x62: {  	_ =	shalt  }
0x63: {  	_ =	shalt  }
0x64: {  	_ =	shalt  }
0x65: {  	_ =	shalt  }
0x66: {  	_ =	shalt  }
0x67: {  	_ =	shalt  }
0x68: {  	_ =	shalt  }
0x69: {  	_ =	shalt  }
0x6a: {  	_ =	shalt  }
0x6b: {  	_ =	shalt  }
0x6c: {  	_ =	shalt  }
0x6d: {  	_ =	shalt  }
0x6e: {  	_ =	shalt  }
0x6f: {  	_ =	shalt  }
0x70: {  	_ =	shalt  }
0x71: {  	_ =	shalt  }
0x72: {  	_ =	shalt  }
0x73: {  	_ =	shalt  }
0x74: {  	_ =	shalt  }
0x75: {  	_ =	shalt  }
0x76: {  	_ =	shalt  }
0x77: {  	_ =	shalt  }
0x78: {  	_ =	shalt  }
0x79: {  	_ =	shalt  }
0x7a: {  	_ =	shalt  }
0x7b: {  	_ =	shalt  }
0x7c: {  	_ =	shalt  }
0x7d: {  	_ =	shalt  }
0x7e: {  	_ =	shalt  }
0x7f: {  	_ =	shalt  }
0x80: {  	_ =	shalt  }
0x81: {  	_ =	shalt  }
0x82: {  	_ =	shalt  }
0x83: {  	_ =	shalt  }
0x84: {  	_ =	shalt  }
0x85: {  	_ =	shalt  }
0x86: {  	_ =	shalt  }
0x87: {  	_ =	shalt  }
.Lfunc_end0:
.L_simem_size_0:
called_computation.2_lowered:
.L_overlay_start_0:
0x88: {  	s2 =	sld [smem:$0x3FD9]  }
0x89: {  	s3 =	sld [smem:$0x3FFE];
	_ =	sdelay $0x1  }
0x8a: {  	s1 =	srdreg.scid  }
0x8b: {  	s0 =	sand.u32 $0x1, s1  }
0x8c: {  	s14 =	sshll.u32 s0, $0xA;
	s2 =	sadd.s32 s3, s2  }
0x8d: {  	s2 =	sadd.s32 s2, s14  }
0x8e: {  	[smem:$0x3FBE] =	sst s2  }
0x8f: {  	_ = 	snop  }
0x90: {  	s2 =	sld [smem:$0x3FD0];
	_ =	sdelay $0x2  }
0x91: {  	s15 =	simm.s32 $0xA;
	s4 =	simm.s32 $0x10  }
0x92: {  	[smem:s4], [sflag:s15] =	dma.local [hbm:s2], $0x1  }
0x93: {  	_ =	swait.eq [sflag:s15], $0x1  }
0x94: {  	[sflag:s15] =	ssyncset.done $0x0  }
0x95: {  	[sflag:s15] =	ssyncadd.s32 $0xFFFFFFFF  }
0x96: {  	s16 =	sld [smem:$0x11];
	(tm) =	ssettm $0x1  }
0x97: {  	s17 =	sld [smem:$0x3FFB];
	_ =	sdelay $0x3  }
0x98: {  	_ =	strace s17  }
0x99: {  	s3 =	sld [smem:$0x3FFC];
	_ =	sdelay $0x3  }
0x9a: {  	_ =	strace s3  }
0x9b: {  	s3 =	sld [smem:$0x3FFD];
	_ =	sdelay $0x3  }
0x9c: {  	_ =	strace s3  }
0x9d: {  	_ =	strace $0x8FFFFFFF  }
0x9e: {  	s18 =	sld [smem:$0x3FDB];
	_ =	sdelay $0x1  }
0x9f: {  	s19 =	simm.s32 $_scs_section_size  }
0xa0: {  	s5 =	simm.s32 $_size__tile_overlayer_lowered;
	s6 =	simm.s32 $_tile_overlayer_lowered  }
0xa1: {  	s22 =	simm.s32 $0x1BFF;
	s21 =	sshll.u32 s6, $0x1;
	s3 =	sadd.s32 s19, s18  }
0xa2: {  	s7 =	simm.s32 $0x0;
	s20 =	sshll.u32 s5, $0x1;
	s5 =	sadd.s32 s21, s3  }
0xa3: {  	[timem:s7], [sflag:s22] =	dma.local [hbm:s5], s20  }
0xa4: {  	_ =	swait.ge [sflag:s22], s20  }
0xa5: {  	s4 =	ssub.s32 $0x0, s20;
	[sflag:s22] =	ssyncset.done $0x0  }
0xa6: {  	[sflag:s22] =	ssyncadd.s32 s4;
	_ =	sdelay $0x1  }
0xa7: {  	s23 =	simm.s32 $0x1B8B  }
0xa8: {  	_ =	swait.ge [sflag:s23], $0x1  }
0xa9: {  	[sflag:s23] =	ssyncset.done $0x0  }
0xaa: {  	s25 =	simm.s32 $0x1B8E;
	s24 =	sld [smem:$0x3FFE];
	[sflag:s23] =	ssyncadd.s32 $0xFFFFFFFF  }
0xab: {  	s26 =	simm.s32 $execute0_lowered;
	[smem:$0x3FD2] =	sst s25  }
0xac: {  	s5 =	sshll.u32 s26, $0x1;
	_ =	strace $0x8000004C;
	[dreg:$0x1] =	wrdreg $0xFFFFFFFF  }
0xad: {  	s28 =	simm.s32 $_size_execute0_lowered;
	s3 =	sadd.s32 s3, s5;
	[dreg:$0x0] =	wrdreg $0x0  }
0xae: {  	s5 =	sshll.u32 s28, $0x1;
	[dreg:$0x2] =	wrdreg s3  }
0xaf: {  	[dreg:$0x3] =	wrdreg s5  }
0xb0: {  	[dreg:$0x4] =	wrdreg $0xC0  }
0xb1: {  	_ =	task [dreg:s7], $0x5FFFF  }
0xb2: {  	[dreg:$0x1] =	wrdreg $0xFFFFFFFF  }
0xb3: {  	[dreg:$0x0] =	wrdreg $0x60  }
0xb4: {  	[dreg:$0x2] =	wrdreg s24  }
0xb5: {  	[dreg:$0x3] =	wrdreg s16  }
0xb6: {  	[dreg:$0x4] =	wrdreg $0x90000  }
0xb7: {  	[dreg:$0x5] =	wrdreg $0x9  }
0xb8: {  	_ =	task.clear_ibuf [dreg:s7], $0x6FFFF;
	_ =	strace $0x9000004C  }
0xb9: {  	s29 =	simm.s32 $0x9;
	_ =	strace $0x8000004E  }
0xba: {  	_ =	swait.ge [sflag:s29], $0x1  }
0xbb: {  	[sflag:s29] =	ssyncadd.s32 $0xFFFFFFFF  }
0xbc: {  	_ =	strace $0x9000004E  }
0xbd: {  	_ =	sfence  }
0xbe: {  	s30 =	sld [smem:$0x0];
	_ =	sdelay $0x2  }
0xbf: {  	s31 =	sshll.u32 s1, $0xD;
	s1 =	sshrl.u32 s1, $0x2  }
0xc0: {  	s3 =	sand.u32 $0x4000, s31;
	s1 =	sadd.s32 s1, s30  }
0xc1: {  	s0 =	sor.u32 s3, s0;
	s1 =	sshll.u32 s1, $0x11  }
0xc2: {  	s0 =	sor.u32 s1, s0  }
0xc3: {  	s0 =	sadd.s32 $0x8F2B, s0  }
0xc4: {  	[sflag:s0] =	ssyncadd.remote.s32 $0x1  }
0xc5: {  	_ =	sfence.sel $0xFFFF  }
0xc6: {  	[dreg:$0x0] =	wrdreg $0xFFFFFFFF;
	(pc) =	sbr.abs _section_cstart, $3  }
0xc7: {  	[dreg:$0x1] =	wrdreg $0xFFFFFFFF  }
0xc8: {  	_ =	task.clear_ibuf [dreg:s7], $0x2FFFF;
	_ =	strace $0x9FFFFFFF  }
0xc9: {  	(tm) =	ssettm $0x7FFFFFFF  }
tec
execute0_lowered:
.L_overlay_start_1:
0x0: {  	(tag) =	ssettag $0x1  }
0x1: {  	s1 =	srdreg.scid;
	s6 =	rddreg [dreg:$0x0]  }
0x2: {  	s0 =	stileid.u32;
	s8 =	rddreg [dreg:$0x1]  }
0x3: {  	s2 =	rddreg [dreg:$0x2];
	s3 =	simm.s32 $0x0;
	s14 =	simm.s32 $0x80  }
0x4: {  	s15 =	simm.s32 $0x5000;
	s16 =	simm.s32 $0x1;
	s17 =	simm.s32 $0x0  }
0x5: {  	s7 =	sand.u32 $0x1, s1;
	s29 =	sshll.u32 s0, $0x1;
	s10 =	smul.u32 $0x13C00, s0  }
0x6: {  	[smem:$0x7FF] =	sst s3;
	s4 =	sadd.s32 $0x5D400, s6;
	s12 =	smul.u32 $0x4F000, s0  }
0x7: {  	s31 =	sshll.u32 s0, $0x6;
	s1 =	sor.u32 s7, s29;
	s5 =	smul.u32 $0x13C000, s7  }
0x8: {  	s7 =	ssub.s32 $0x2, s7;
	s9 =	smul.u32 $0x500, s1;
	s1 =	rddreg [dreg:$0x3]  }
0x9: {  	_ =	strace $0x8000004D;
	s30 =	sshrl.u32 s7, $0x1;
	s12 =	sshrl.u32 s12, $0x2  }
0xa: {  	s10 =	sadd.s32 s10, s5;
	s5 =	sadd.s32 $0xBC00, s6;
	s13 =	ssub.s32 s7, s30  }
0xb: {  	s12 =	sadd.s32 s12, s2;
	s11 =	sadd.s32 s9, s6;
	s10 =	sshrl.u32 s10, $0x3  }
0xc: {  	s7 =	sadd.s32 s8, s9;
	s10 =	sadd.s32 s10, s6;
	s6 =	sor.u32 $0x1C02, s31  }
0xd: {  	s8 =	sadd.s32 $0x1C00, s11;
	s11 =	sshrl.u32 s12, $0x3;
	s12 =	simm.s32 $0x2  }
0xe: {  	s9 =	sadd.s32 $0x84C00, s10;
	s10 =	smax.u32 s13, $0x1;
	s13 =	simm.s32 $0x2800  }
.LBB2_1:
0xf: {  	[spmem:s11], [sflag:s6] =	dma.local [hbm:s5], $0x2780  }
0x10: {  	_ =	swait.ge [sflag:s12], $0x2780  }
0x11: {  	[sflag:s12] =	ssyncset.done $0x0  }
0x12: {  	[sflag:s12] =	ssyncadd.s32 $0xFFFFD880  }
0x13: {  	[tilespmem:s3], [sflag:$0x2] =	stream.linear.gather [hbm4b:s7+s3], $0x2780, $0x38;
	[tilespmem:$0x1CC00] =	vst v63  }
0x14: {  	_ =	swait.ge [sflag:s12], $0x2780  }
0x15: {  	[sflag:s12] =	ssyncset.done $0x0  }
0x16: {  	[sflag:s12] =	ssyncadd.s32 $0xFFFFD880  }
0x17: {  	[tilespmem:s13], [sflag:$0x2] =	stream.linear.gather [hbm4b:s8+s3], $0x2780, $0x38;
	[tilespmem:$0x1CC00] =	vst v63  }
0x18: {  	_ =	swait.ge [sflag:s12], $0x2780  }
0x19: {  	[sflag:s12] =	ssyncset.done $0x0  }
0x1a: {  	[sflag:s12] =	ssyncadd.s32 $0xFFFFD880  }
0x1b: {  	s18 =	simm.s32 $0x0;
	[bflag:$0x0] =	sbarrier.arrive $0xFFFF  }
0x1c: {  	[tilespmem:s15], [sflag:$0x1] =	stream.indirect.gather [hbm4b:s4+s14], $0x80, s18, s14, $0xb8;
	[tilespmem:$0x1CC00] =	vst v63  }
0x1d: {  	_ =	swait.ge [sflag:s16], $0x4000  }
0x1e: {  	[sflag:s16] =	ssyncset.done $0x0  }
0x1f: {  	s31 =	simm.s32 $0x2800;
	[sflag:s16] =	ssyncadd.s32 $0xFFFFC000  }
0x20: {  	[spmem:s2] =	stream.indirect.scatter.add.f32 [tilespmem:s15], [sflag:$0x2], $0x80, s31, s14, $0xb8;
	[tilespmem:$0x1CC00] =	vst v63  }
0x21: {  	_ =	swait.ge [sflag:s12], $0x4000  }
0x22: {  	s19 =	simm.s32 $0x400;
	s18 =	simm.s32 $0x200;
	[sflag:s12] =	ssyncset.done $0x0  }
.LBB2_2:
0x23: {  	s20 =	sshra.s32 s18, $0x2  }
0x24: {  	[sflag:s12] =	ssyncadd.s32 $0xFFFFC000;
	s18 =	smov.u32 s19;
	s21 =	sadd.s32 $0x200, s19  }
0x25: {  	[tilespmem:s15], [sflag:$0x1] =	stream.indirect.gather [hbm4b:s4+s14], $0x80, s20, s14, $0xb8;
	[tilespmem:$0x1CC00] =	vst v63  }
0x26: {  	p0 =	sne.s32 s19, $0x9C00;
	_ =	swait.ge [sflag:s16], $0x4000  }
.Ltmp0:
0x27: {  	[sflag:s16] =	ssyncset.done $0x0;
	(pc) =	sbr.rel @p0 .LBB2_2-.Ltmp0, $4  }
0x28: {  	s19 =	sadd.s32 $0x2800, s20;
	[sflag:s16] =	ssyncadd.s32 $0xFFFFC000  }
0x29: {  	[spmem:s2] =	stream.indirect.scatter.add.f32 [tilespmem:s15], [sflag:$0x2], $0x80, s19, s14, $0xb8;
	[tilespmem:$0x1CC00] =	vst v63  }
0x2a: {  	_ =	swait.ge [sflag:s12], $0x4000  }
0x2b: {  	s19 =	smov.u32 s21;
	[sflag:s12] =	ssyncset.done $0x0  }
0x2c: {  	s18 =	sshra.s32 s18, $0x2;
	[sflag:s12] =	ssyncadd.s32 $0xFFFFC000  }
0x2d: {  	[tilespmem:s15], [sflag:$0x1] =	stream.indirect.gather [hbm4b:s4+s14], $0x80, s18, s14, $0xb8;
	[tilespmem:$0x1CC00] =	vst v63  }
0x2e: {  	_ =	swait.ge [sflag:s16], $0x4000  }
0x2f: {  	[sflag:s16] =	ssyncset.done $0x0  }
0x30: {  	s18 =	sadd.s32 $0x2800, s18;
	[sflag:s16] =	ssyncadd.s32 $0xFFFFC000  }
0x31: {  	[spmem:s2] =	stream.indirect.scatter.add.f32 [tilespmem:s15], [sflag:$0x2], $0x80, s18, s14, $0xb8;
	[tilespmem:$0x1CC00] =	vst v63  }
0x32: {  	_ =	swait.ge [sflag:s12], $0x4000  }
0x33: {  	s17 =	sadd.s32 $0x1, s17;
	[sflag:s12] =	ssyncset.done $0x0  }
0x34: {  	p0 =	sne.s32 s17, s10;
	[sflag:s12] =	ssyncadd.s32 $0xFFFFC000  }
.Ltmp1:
0x35: {  	[bflag:$0x0] =	sbarrier.arrive $0xFFFF;
	(pc) =	sbr.rel @p0 .LBB2_1-.Ltmp1, $4  }
0x36: {  	[hbm:s9], [sflag:s6] =	dma.local [spmem:s11], $0x2780  }
0x37: {  	_ =	swait.ge [sflag:s12], $0x2780  }
0x38: {  	[sflag:s12] =	ssyncset.done $0x0  }
0x39: {  	[sflag:s12] =	ssyncadd.s32 $0xFFFFD880  }
0x3a: {  	_ =	sfence.sel $0x180000  }
0x3b: {  	[bflag:$0x0] =	sbarrier.arrive $0xFFFF  }
0x3c: {  	p0 =	sne.s32 s0, $0x0;
	_ =	strace $0x9000004D  }
0x3d: {  	s0 =	sadd.s32 @!p0 $0x100000, s1;
	[bflag:$0x2] =	sbarrier.arrive $0xFFFF  }
0x3e: {  	[sflag:s0] =	ssyncadd.tile.s32 @!p0 $0x1;
	_ =	shalt  }
.Lfunc_end2:
_tile_overlayer_lowered:
.L_overlay_start_2:
0x3f: {  	(tag) =	ssettag $0x2  }
0x40: {  	s0 =	rddreg [dreg:$0x0];
	s2 =	stileid.u32  }
0x41: {  	s1 =	rddreg [dreg:$0x1];
	p0 =	sne.s32 s2, $0x0  }
0x42: {  	s3 =	rddreg [dreg:$0x2];
	[bflag:$0x3] =	sbarrier.arrive $0xFFFF;
	s2 =	simm.s32 @!p0 $0x1C02  }
0x43: {  	[timem:s3], [sflag:s2] =	dma.local @!p0 [hbm:s0], s1  }
0x44: {  	s0 =	simm.s32 @!p0 $0x2  }
0x45: {  	_ =	swait.ge @!p0 [sflag:s0], s1  }
0x46: {  	s1 =	ssub.s32 @!p0 $0x0, s1;
	[sflag:s0] =	ssyncset.done @!p0 $0x0  }
0x47: {  	[sflag:s0] =	ssyncadd.s32 @!p0 s1  }
0x48: {  	[bflag:$0x3] =	sbarrier.arrive $0xFFFF  }
0x49: {  	_ =	shalt  }

// kernel: kernel.8.cloned.1.call-start
scs
__scs_entry_jumppad:
0x0: {  	(pc) =	sbr.rel $0x88, $3  }
0x1: {  	(tag) =	ssettag $0x0;
	lr =	simm.s32 $0x1  }
0x2: {  	[smem:$0x3F97] =	sst lr;
	_ =	strace $0xD0000000  }
0x3: {  	_ = 	snop  }
0x4: {  	_ = 	snop  }
0x5: {  	_ = 	snop  }
0x6: {  	_ = 	snop  }
0x7: {  	_ = 	snop  }
__scs_overlays_trampoline_lowered:
0x8: {  	[smem:$0x3FA6] =	sst s0  }
0x9: {  	[smem:$0x3FA7] =	sst s1  }
0xa: {  	[smem:$0x3FA8] =	sst s2  }
0xb: {  	[smem:$0x3FA9] =	sst s3  }
0xc: {  	[smem:$0x3FAA] =	sst s4  }
0xd: {  	[smem:$0x3FAB] =	sst s5  }
0xe: {  	[smem:$0x3FAC] =	sst s6  }
0xf: {  	[smem:$0x3FAD] =	sst s7  }
0x10: {  	[smem:$0x3FAE] =	sst s8  }
0x11: {  	[smem:$0x3FAF] =	sst s9;
	s0 =	simm.s32 @!p0 $0x0  }
0x12: {  	s1 =	sld [smem:$0x3F95];
	s0 =	simm.s32 @p0 $0x1  }
0x13: {  	[smem:$0x3FB0] =	sst s0;
	s0 =	simm.s32 @!p1 $0x0  }
0x14: {  	s2 =	sld [smem:$0x3F94];
	s0 =	simm.s32 @p1 $0x1  }
0x15: {  	[smem:$0x3FB1] =	sst s0;
	s0 =	simm.s32 @!p2 $0x0  }
0x16: {  	s3 =	sld [smem:$0x3FDB];
	s0 =	simm.s32 @p2 $0x1  }
0x17: {  	s4 =	simm.s32 $0x1BF5;
	[smem:$0x3FB3] =	sst s0  }
0x18: {  	s0 =	sld [smem:$0x3F96];
	_ =	swait.ge [sflag:s4], $0x0  }
0x19: {  	s7 =	sld [smem:$0x3F97]  }
0x1a: {  	s8 =	sadd.s32 $0xFFFFE003, lr  }
0x1b: {  	s9 =	sadd.s32 $0xFFFFFEF7, lr;
	s5 =	simm.s32 $0xFFFFFFFF;
	p2 =	slt.u32 s8, $0xFFFFF086  }
0x1c: {  	p1 =	slt.u32 s9, $0xF7A;
	s5 =	simm.s32 @!p2 $0x0  }
0x1d: {  	s5 =	simm.s32 @p1 $0x1;
	p0 =	seq.s32 s7, s2  }
0x1e: {  	s7 =	smul.u32 @!p0 $0xF7A, s2;
	p2 =	seq.s32 @!p0 s5, $0x0  }
0x1f: {  	s9 =	smul.u32 $0xF7A, s1;
	s8 =	simm.s32 @!p0 $0x1BF5;
	p2 =	por !p2, p0  }
0x20: {  	[sflag:s8] =	ssyncset.s32 @!p0 $0xFFFFF086;
	s6 =	sadd.s32 @!p0 s3, s7;
	s7 =	simm.s32 @!p0 $0x108  }
0x21: {  	s3 =	sadd.s32 s3, s9;
	s6 =	sadd.s32 @!p0 $0x88, s6;
	s7 =	simm.s32 @p2 $0x1082  }
0x22: {  	[simem:s7], [sflag:s8] =	dma.local @!p0 [hbm:s6], $0xF7A  }
0x23: {  	s9 =	sor.u32 $0xD0000000, s2;
	s6 =	simm.s32 $0x108;
	_ =	swait.ge @!p0 [sflag:s8], $0x0  }
0x24: {  	s3 =	sadd.s32 $0x88, s3;
	s6 =	simm.s32 @!p1 $0x1082;
	[sflag:s4] =	ssyncset.s32 $0xFFFFF086  }
0x25: {  	[simem:s6], [sflag:s4] =	dma.local [hbm:s3], $0xF7A  }
0x26: {  	[smem:$0x3F97] =	sst s1;
	(tag) =	ssettag s2;
	_ =	strace s9  }
0x27: {  	s1 =	sld [smem:$0x3FA7]  }
0x28: {  	s2 =	sld [smem:$0x3FA8]  }
0x29: {  	s4 =	sld [smem:$0x3FAA]  }
0x2a: {  	p0 =	seq.s32 s5, $0x0;
	s5 =	sld [smem:$0x3FAB]  }
0x2b: {  	s6 =	sld [smem:$0x3FAC]  }
0x2c: {  	s7 =	sld [smem:$0x3FAD]  }
0x2d: {  	s3 =	simm.s32 $0x108;
	s8 =	sld [smem:$0x3FAE]  }
0x2e: {  	s3 =	simm.s32 @!p0 $0x1082;
	s9 =	sld [smem:$0x3FAF]  }
0x2f: {  	lr =	sadd.s32 s0, s3;
	s0 =	sld [smem:$0x3FA6]  }
0x30: {  	s3 =	sld [smem:$0x3FA9]  }
0x31: {  	[smem:$0x3FB2] =	sst s10  }
0x32: {  	s10 =	sld [smem:$0x3FB0];
	_ =	sdelay $0x3  }
0x33: {  	p0 =	seq.s32 s10, $0x1;
	s10 =	sld [smem:$0x3FB2];
	_ =	sdelay $0x3  }
0x34: {  	[smem:$0x3FB2] =	sst s10  }
0x35: {  	s10 =	sld [smem:$0x3FB1];
	_ =	sdelay $0x3  }
0x36: {  	p1 =	seq.s32 s10, $0x1;
	s10 =	sld [smem:$0x3FB2];
	_ =	sdelay $0x3  }
0x37: {  	[smem:$0x3FB2] =	sst s10  }
0x38: {  	s10 =	sld [smem:$0x3FB3]  }
0x39: {  	_ = 	snop;
	(pc) =	sbr.ind lr, $3  }
0x3a: {  	_ = 	snop  }
0x3b: {  	_ = 	snop  }
0x3c: {  	p2 =	seq.s32 s10, $0x1;
	s10 =	sld [smem:$0x3FB2]  }
0x3d: {  	_ =	shalt  }
0x3e: {  	_ =	shalt  }
0x3f: {  	_ =	shalt  }
0x40: {  	_ =	shalt  }
0x41: {  	_ =	shalt  }
0x42: {  	_ =	shalt  }
0x43: {  	_ =	shalt  }
0x44: {  	_ =	shalt  }
0x45: {  	_ =	shalt  }
0x46: {  	_ =	shalt  }
0x47: {  	_ =	shalt  }
0x48: {  	_ =	shalt  }
0x49: {  	_ =	shalt  }
0x4a: {  	_ =	shalt  }
0x4b: {  	_ =	shalt  }
0x4c: {  	_ =	shalt  }
0x4d: {  	_ =	shalt  }
0x4e: {  	_ =	shalt  }
0x4f: {  	_ =	shalt  }
0x50: {  	_ =	shalt  }
0x51: {  	_ =	shalt  }
0x52: {  	_ =	shalt  }
0x53: {  	_ =	shalt  }
0x54: {  	_ =	shalt  }
0x55: {  	_ =	shalt  }
0x56: {  	_ =	shalt  }
0x57: {  	_ =	shalt  }
0x58: {  	_ =	shalt  }
0x59: {  	_ =	shalt  }
0x5a: {  	_ =	shalt  }
0x5b: {  	_ =	shalt  }
0x5c: {  	_ =	shalt  }
0x5d: {  	_ =	shalt  }
0x5e: {  	_ =	shalt  }
0x5f: {  	_ =	shalt  }
0x60: {  	_ =	shalt  }
0x61: {  	_ =	shalt  }
0x62: {  	_ =	shalt  }
0x63: {  	_ =	shalt  }
0x64: {  	_ =	shalt  }
0x65: {  	_ =	shalt  }
0x66: {  	_ =	shalt  }
0x67: {  	_ =	shalt  }
0x68: {  	_ =	shalt  }
0x69: {  	_ =	shalt  }
0x6a: {  	_ =	shalt  }
0x6b: {  	_ =	shalt  }
0x6c: {  	_ =	shalt  }
0x6d: {  	_ =	shalt  }
0x6e: {  	_ =	shalt  }
0x6f: {  	_ =	shalt  }
0x70: {  	_ =	shalt  }
0x71: {  	_ =	shalt  }
0x72: {  	_ =	shalt  }
0x73: {  	_ =	shalt  }
0x74: {  	_ =	shalt  }
0x75: {  	_ =	shalt  }
0x76: {  	_ =	shalt  }
0x77: {  	_ =	shalt  }
0x78: {  	_ =	shalt  }
0x79: {  	_ =	shalt  }
0x7a: {  	_ =	shalt  }
0x7b: {  	_ =	shalt  }
0x7c: {  	_ =	shalt  }
0x7d: {  	_ =	shalt  }
0x7e: {  	_ =	shalt  }
0x7f: {  	_ =	shalt  }
0x80: {  	_ =	shalt  }
0x81: {  	_ =	shalt  }
0x82: {  	_ =	shalt  }
0x83: {  	_ =	shalt  }
0x84: {  	_ =	shalt  }
0x85: {  	_ =	shalt  }
0x86: {  	_ =	shalt  }
0x87: {  	_ =	shalt  }
.Lfunc_end0:
.L_simem_size_0:
called_computation_lowered:
.L_overlay_start_0:
0x88: {  	s2 =	sld [smem:$0x3FD9]  }
0x89: {  	s3 =	sld [smem:$0x3FFE];
	_ =	sdelay $0x1  }
0x8a: {  	s1 =	srdreg.scid  }
0x8b: {  	s0 =	sand.u32 $0x1, s1  }
0x8c: {  	s14 =	sshll.u32 s0, $0xA;
	s2 =	sadd.s32 s3, s2  }
0x8d: {  	s2 =	sadd.s32 s2, s14  }
0x8e: {  	[smem:$0x3FBE] =	sst s2  }
0x8f: {  	_ = 	snop  }
0x90: {  	s2 =	sld [smem:$0x3FD0];
	_ =	sdelay $0x2  }
0x91: {  	s15 =	simm.s32 $0xA;
	s4 =	simm.s32 $0x10  }
0x92: {  	[smem:s4], [sflag:s15] =	dma.local [hbm:s2], $0x1  }
0x93: {  	_ =	swait.eq [sflag:s15], $0x1  }
0x94: {  	[sflag:s15] =	ssyncset.done $0x0  }
0x95: {  	[sflag:s15] =	ssyncadd.s32 $0xFFFFFFFF  }
0x96: {  	s16 =	sld [smem:$0x10];
	(tm) =	ssettm $0x1  }
0x97: {  	s17 =	sld [smem:$0x3FFB];
	_ =	sdelay $0x3  }
0x98: {  	_ =	strace s17  }
0x99: {  	s3 =	sld [smem:$0x3FFC];
	_ =	sdelay $0x3  }
0x9a: {  	_ =	strace s3  }
0x9b: {  	s3 =	sld [smem:$0x3FFD];
	_ =	sdelay $0x3  }
0x9c: {  	_ =	strace s3  }
0x9d: {  	_ =	strace $0x8FFFFFFF  }
0x9e: {  	s18 =	sld [smem:$0x3FDB];
	_ =	sdelay $0x1  }
0x9f: {  	s19 =	simm.s32 $_scs_section_size  }
0xa0: {  	s5 =	simm.s32 $_size__tile_overlayer_lowered;
	s6 =	simm.s32 $_tile_overlayer_lowered  }
0xa1: {  	s22 =	simm.s32 $0x1BFF;
	s21 =	sshll.u32 s6, $0x1;
	s3 =	sadd.s32 s19, s18  }
0xa2: {  	s7 =	simm.s32 $0x0;
	s20 =	sshll.u32 s5, $0x1;
	s5 =	sadd.s32 s21, s3  }
0xa3: {  	[timem:s7], [sflag:s22] =	dma.local [hbm:s5], s20  }
0xa4: {  	_ =	swait.ge [sflag:s22], s20  }
0xa5: {  	s4 =	ssub.s32 $0x0, s20;
	[sflag:s22] =	ssyncset.done $0x0  }
0xa6: {  	[sflag:s22] =	ssyncadd.s32 s4;
	_ =	sdelay $0x1  }
0xa7: {  	s23 =	simm.s32 $0x1B8B  }
0xa8: {  	_ =	swait.ge [sflag:s23], $0x1  }
0xa9: {  	[sflag:s23] =	ssyncset.done $0x0  }
0xaa: {  	s25 =	simm.s32 $0x1B8E;
	s24 =	sld [smem:$0x3FFE];
	[sflag:s23] =	ssyncadd.s32 $0xFFFFFFFF  }
0xab: {  	s26 =	simm.s32 $execute0_lowered;
	[smem:$0x3FD2] =	sst s25  }
0xac: {  	s5 =	sshll.u32 s26, $0x1;
	_ =	strace $0x80000046;
	[dreg:$0x1] =	wrdreg $0xFFFFFFFF  }
0xad: {  	s28 =	simm.s32 $_size_execute0_lowered;
	s3 =	sadd.s32 s3, s5;
	[dreg:$0x0] =	wrdreg $0x0  }
0xae: {  	s5 =	sshll.u32 s28, $0x1;
	[dreg:$0x2] =	wrdreg s3  }
0xaf: {  	[dreg:$0x3] =	wrdreg s5  }
0xb0: {  	[dreg:$0x4] =	wrdreg $0xC0  }
0xb1: {  	_ =	task [dreg:s7], $0x5FFFF  }
0xb2: {  	[dreg:$0x1] =	wrdreg $0xFFFFFFFF  }
0xb3: {  	[dreg:$0x0] =	wrdreg $0x60  }
0xb4: {  	[dreg:$0x2] =	wrdreg s24  }
0xb5: {  	[dreg:$0x3] =	wrdreg s16  }
0xb6: {  	[dreg:$0x4] =	wrdreg $0x68000  }
0xb7: {  	[dreg:$0x5] =	wrdreg $0x9  }
0xb8: {  	_ =	task.clear_ibuf [dreg:s7], $0x6FFFF;
	_ =	strace $0x90000046  }
0xb9: {  	s29 =	simm.s32 $0x9;
	_ =	strace $0x80000048  }
0xba: {  	_ =	swait.ge [sflag:s29], $0x1  }
0xbb: {  	[sflag:s29] =	ssyncadd.s32 $0xFFFFFFFF  }
0xbc: {  	_ =	strace $0x90000048  }
0xbd: {  	_ =	sfence  }
0xbe: {  	s30 =	sld [smem:$0x0];
	_ =	sdelay $0x2  }
0xbf: {  	s31 =	sshll.u32 s1, $0xD;
	s1 =	sshrl.u32 s1, $0x2  }
0xc0: {  	s3 =	sand.u32 $0x4000, s31;
	s1 =	sadd.s32 s1, s30  }
0xc1: {  	s0 =	sor.u32 s3, s0;
	s1 =	sshll.u32 s1, $0x11  }
0xc2: {  	s0 =	sor.u32 s1, s0  }
0xc3: {  	s0 =	sadd.s32 $0x8F2B, s0  }
0xc4: {  	[sflag:s0] =	ssyncadd.remote.s32 $0x1  }
0xc5: {  	_ =	sfence.sel $0xFFFF  }
0xc6: {  	[dreg:$0x0] =	wrdreg $0xFFFFFFFF;
	(pc) =	sbr.abs _section_cstart, $3  }
0xc7: {  	[dreg:$0x1] =	wrdreg $0xFFFFFFFF  }
0xc8: {  	_ =	task.clear_ibuf [dreg:s7], $0x2FFFF;
	_ =	strace $0x9FFFFFFF  }
0xc9: {  	(tm) =	ssettm $0x7FFFFFFF  }
tec
execute0_lowered:
.L_overlay_start_1:
0x0: {  	(tag) =	ssettag $0x1  }
0x1: {  	s6 =	rddreg [dreg:$0x0]  }
0x2: {  	s1 =	srdreg.scid;
	s2 =	rddreg [dreg:$0x1]  }
0x3: {  	s0 =	stileid.u32;
	s3 =	rddreg [dreg:$0x2];
	s4 =	simm.s32 $0x0  }
0x4: {  	s13 =	simm.s32 $0x80;
	s14 =	simm.s32 $0x0;
	s9 =	smul.u32 $0x13C00, s0  }
0x5: {  	s7 =	sand.u32 $0x1, s1;
	s28 =	sshll.u32 s0, $0x1;
	s29 =	smul.u32 $0x4F000, s0  }
0x6: {  	[smem:$0x7FF] =	sst s4;
	s1 =	sor.u32 s7, s28;
	s8 =	smul.u32 $0x13C000, s7  }
0x7: {  	s31 =	sshll.u32 s0, $0x6;
	s7 =	ssub.s32 $0x2, s7;
	s5 =	smul.u32 $0x500, s1  }
0x8: {  	s1 =	rddreg [dreg:$0x3];
	_ =	strace $0x80000047;
	s30 =	sshrl.u32 s7, $0x1  }
0x9: {  	s8 =	sadd.s32 s9, s8;
	s9 =	sshrl.u32 s29, $0x2;
	s11 =	ssub.s32 s7, s30  }
0xa: {  	s10 =	sadd.s32 s5, s6;
	s5 =	sadd.s32 $0xBC00, s6;
	s8 =	sshrl.u32 s8, $0x3  }
0xb: {  	s12 =	sadd.s32 s9, s3;
	s9 =	smax.u32 s11, $0x1;
	s11 =	simm.s32 $0x1  }
0xc: {  	s8 =	sadd.s32 s8, s6;
	s6 =	sor.u32 $0x1C01, s31;
	s7 =	sadd.s32 $0x1C00, s10  }
0xd: {  	s10 =	sshrl.u32 s12, $0x3;
	s12 =	simm.s32 $0x2800;
	s8 =	sadd.s32 $0xE400, s8  }
.LBB2_1:
0xe: {  	[spmem:s10], [sflag:s6] =	dma.local [hbm:s5], $0x2780  }
0xf: {  	_ =	swait.ge [sflag:s11], $0x2780  }
0x10: {  	[sflag:s11] =	ssyncset.done $0x0  }
0x11: {  	[sflag:s11] =	ssyncadd.s32 $0xFFFFD880  }
0x12: {  	[tilespmem:s4], [sflag:$0x1] =	stream.linear.gather [hbm4b:s7+s4], $0x2780, $0x38;
	[tilespmem:$0x1A400] =	vst v63  }
0x13: {  	_ =	swait.ge [sflag:s11], $0x2780  }
0x14: {  	[sflag:s11] =	ssyncset.done $0x0  }
0x15: {  	[sflag:s11] =	ssyncadd.s32 $0xFFFFD880  }
0x16: {  	[tilespmem:s12], [sflag:$0x1] =	stream.linear.gather [hbm4b:s2+s4], $0x4000, $0x38;
	[tilespmem:$0x1A400] =	vst v63  }
0x17: {  	_ =	swait.ge [sflag:s11], $0x4000  }
0x18: {  	[sflag:s11] =	ssyncset.done $0x0  }
0x19: {  	[sflag:s11] =	ssyncadd.s32 $0xFFFFC000  }
0x1a: {  	s15 =	simm.s32 $0x0;
	[bflag:$0x0] =	sbarrier.arrive $0xFFFF  }
0x1b: {  	[spmem:s3] =	stream.indirect.scatter.add.f32 [tilespmem:s12], [sflag:$0x1], $0x80, s15, s13, $0xb8;
	[tilespmem:$0x1A400] =	vst v63  }
0x1c: {  	_ =	swait.ge [sflag:s11], $0x4000  }
0x1d: {  	s15 =	simm.s32 $0x200;
	[sflag:s11] =	ssyncset.done $0x0  }
.LBB2_2:
0x1e: {  	s16 =	sshra.s32 s15, $0x2;
	[sflag:s11] =	ssyncadd.s32 $0xFFFFC000;
	p0 =	sne.s32 s15, $0x9C00  }
0x1f: {  	[spmem:s3] =	stream.indirect.scatter.add.f32 [tilespmem:s12], [sflag:$0x1], $0x80, s16, s13, $0xb8;
	[tilespmem:$0x1A400] =	vst v63  }
.Ltmp0:
0x20: {  	_ = 	snop;
	(pc) =	sbr.rel @p0 .LBB2_2-.Ltmp0, $4  }
0x21: {  	_ = 	snop  }
0x22: {  	s15 =	sadd.s32 $0x200, s15  }
0x23: {  	_ =	swait.ge [sflag:s11], $0x4000  }
0x24: {  	[sflag:s11] =	ssyncset.done $0x0  }
0x25: {  	s14 =	sadd.s32 $0x1, s14  }
0x26: {  	[sflag:s11] =	ssyncadd.s32 $0xFFFFC000;
	p0 =	sne.s32 s14, s9  }
.Ltmp1:
0x27: {  	[bflag:$0x0] =	sbarrier.arrive $0xFFFF;
	(pc) =	sbr.rel @p0 .LBB2_1-.Ltmp1, $4  }
0x28: {  	[hbm:s8], [sflag:s6] =	dma.local [spmem:s10], $0x2780  }
0x29: {  	_ =	swait.ge [sflag:s11], $0x2780  }
0x2a: {  	[sflag:s11] =	ssyncset.done $0x0  }
0x2b: {  	[sflag:s11] =	ssyncadd.s32 $0xFFFFD880  }
0x2c: {  	_ =	sfence.sel $0x180000  }
0x2d: {  	[bflag:$0x0] =	sbarrier.arrive $0xFFFF  }
0x2e: {  	p0 =	sne.s32 s0, $0x0;
	_ =	strace $0x90000047  }
0x2f: {  	s0 =	sadd.s32 @!p0 $0x100000, s1;
	[bflag:$0x2] =	sbarrier.arrive $0xFFFF  }
0x30: {  	[sflag:s0] =	ssyncadd.tile.s32 @!p0 $0x1;
	_ =	shalt  }
.Lfunc_end2:
_tile_overlayer_lowered:
.L_overlay_start_2:
0x31: {  	(tag) =	ssettag $0x2  }
0x32: {  	s0 =	rddreg [dreg:$0x0];
	s2 =	stileid.u32  }
0x33: {  	s1 =	rddreg [dreg:$0x1];
	p0 =	sne.s32 s2, $0x0  }
0x34: {  	s3 =	rddreg [dreg:$0x2];
	[bflag:$0x3] =	sbarrier.arrive $0xFFFF;
	s2 =	simm.s32 @!p0 $0x1C01  }
0x35: {  	[timem:s3], [sflag:s2] =	dma.local @!p0 [hbm:s0], s1  }
0x36: {  	s0 =	simm.s32 @!p0 $0x1  }
0x37: {  	_ =	swait.ge @!p0 [sflag:s0], s1  }
0x38: {  	s1 =	ssub.s32 @!p0 $0x0, s1;
	[sflag:s0] =	ssyncset.done @!p0 $0x0  }
0x39: {  	[sflag:s0] =	ssyncadd.s32 @!p0 s1  }
0x3a: {  	[bflag:$0x3] =	sbarrier.arrive $0xFFFF  }
0x3b: {  	_ =	shalt  }

</sc_bundles>
